<compile_context>
chip_gen: v7x
topology: tpu7x:2x2x1
jax: 0.10.2.dev20260603
libtpu: 0.0.44.dev20260713+nightly
codegen_flags: <defaults>
</compile_context>

<pallas_src>
import functools

import jax
import jax.numpy as jnp
from jax import lax
from jax.experimental import pallas as pl
from jax.experimental.pallas import tpu as pltpu
from jax.experimental.pallas import tpu_sc as plsc

BATCH = 16384
VOCAB = 100000
HIER_VOCAB = 10000
EMBED_DIM = 32
OUT_DIM = 32
PAD_DIM = 128

_NC = 2
_NS = 16
_NW = _NC * _NS
_B_PER_W = BATCH // _NW
_CHUNK = 128
_NCHUNK = _B_PER_W // _CHUNK


def _sc_gather_body(idx_hbm, par_hbm, code_hbm, hier_hbm, ec_out, ep_out,
                    idx_v, par_v, c0, c1, c2, c3, h0, h1, h2, h3,
                    sc0, sc1, sh0):
    wid = lax.axis_index("s") * _NC + lax.axis_index("c")
    base = wid * _B_PER_W
    stage = []
    for j in range(_NCHUNK):
        src = pl.ds(base + j * _CHUNK, _CHUNK)
        stage.append(pltpu.async_copy(idx_hbm.at[src], idx_v.at[j], sc0))
        stage.append(pltpu.async_copy(par_hbm.at[src], par_v.at[j], sc1))
    for cp in stage:
        cp.wait()
    for ref in (idx_v, par_v):
        for j in range(_NCHUNK):
            for k in range(_CHUNK // 16):
                s = pl.ds(k * 16, 16)
                ref[j, s] = ref[j, s] * 4
    cbufs = (c0, c1, c2, c3)
    hbufs = (h0, h1, h2, h3)
    cps_c = [pltpu.async_copy(code_hbm.at[idx_v.at[j]], cbufs[j], sc0)
             for j in range(_NCHUNK)]
    cps_h = [pltpu.async_copy(hier_hbm.at[par_v.at[j]], hbufs[j], sh0)
             for j in range(_NCHUNK)]
    for j in range(_NCHUNK):
        rows = pl.ds(base + j * _CHUNK, _CHUNK)
        lanes = pl.ds(0, EMBED_DIM)
        cps_c[j].wait()
        pltpu.sync_copy(cbufs[j], ec_out.at[rows, lanes])
        cps_h[j].wait()
        pltpu.sync_copy(hbufs[j], ep_out.at[rows, lanes])


_sc_gather = functools.partial(
    pl.kernel,
    out_type=[
        jax.ShapeDtypeStruct((BATCH, PAD_DIM), jnp.float32),
        jax.ShapeDtypeStruct((BATCH, PAD_DIM), jnp.float32),
    ],
    mesh=plsc.VectorSubcoreMesh(core_axis_name="c", subcore_axis_name="s"),
    compiler_params=pltpu.CompilerParams(use_tc_tiling_on_sc=False),
    scratch_types=[
        pltpu.VMEM((_NCHUNK, _CHUNK), jnp.int32),
        pltpu.VMEM((_NCHUNK, _CHUNK), jnp.int32),
        pltpu.VMEM((_CHUNK, EMBED_DIM), jnp.float32),
        pltpu.VMEM((_CHUNK, EMBED_DIM), jnp.float32),
        pltpu.VMEM((_CHUNK, EMBED_DIM), jnp.float32),
        pltpu.VMEM((_CHUNK, EMBED_DIM), jnp.float32),
        pltpu.VMEM((_CHUNK, EMBED_DIM), jnp.float32),
        pltpu.VMEM((_CHUNK, EMBED_DIM), jnp.float32),
        pltpu.VMEM((_CHUNK, EMBED_DIM), jnp.float32),
        pltpu.VMEM((_CHUNK, EMBED_DIM), jnp.float32),
        pltpu.SemaphoreType.DMA,
        pltpu.SemaphoreType.DMA,
        pltpu.SemaphoreType.DMA,
    ],
)(_sc_gather_body)


_TP_BLK = 16384


_N_CODE_STEPS = (VOCAB + _TP_BLK - 1) // _TP_BLK


def _tp_block(tt_ref):
    t = jax.lax.dot_general(
        tt_ref[...], jnp.eye(EMBED_DIM, dtype=jnp.float32),
        (((0,), (0,)), ((), ())), preferred_element_type=jnp.float32)
    return jnp.concatenate(
        [t, jnp.zeros((_TP_BLK, PAD_DIM - EMBED_DIM), jnp.float32)], axis=1)


def _tp_body(code_ref, hier_ref, oc_ref, oh_ref):
    i = pl.program_id(0)

    @pl.when(i < _N_CODE_STEPS)
    def _():
        oc_ref[...] = _tp_block(code_ref)

    @pl.when(i == _N_CODE_STEPS)
    def _():
        oh_ref[...] = _tp_block(hier_ref)


def _tc_transpose_pad(code_t, hier_t):
    last = _N_CODE_STEPS - 1
    return pl.pallas_call(
        _tp_body,
        grid=(_N_CODE_STEPS + 1,),
        in_specs=[
            pl.BlockSpec((EMBED_DIM, _TP_BLK), lambda i: (0, jnp.minimum(i, last))),
            pl.BlockSpec((EMBED_DIM, _TP_BLK), lambda i: (0, 0)),
        ],
        out_specs=[
            pl.BlockSpec((_TP_BLK, PAD_DIM), lambda i: (jnp.minimum(i, last), 0)),
            pl.BlockSpec((_TP_BLK, PAD_DIM), lambda i: (0, 0)),
        ],
        out_shape=[
            jax.ShapeDtypeStruct((VOCAB, PAD_DIM), jnp.float32),
            jax.ShapeDtypeStruct((HIER_VOCAB, PAD_DIM), jnp.float32),
        ],
    )(code_t, hier_t)


_MM_BLK = 8192


def _mm_body(ec_ref, ep_ref, w1_ref, w2_ref, b_ref, o_ref):
    ec = ec_ref[:, : EMBED_DIM]
    ep = ep_ref[:, : EMBED_DIM]
    acc = jax.lax.dot_general(
        w1_ref[...], ec, (((0,), (1,)), ((), ())),
        preferred_element_type=jnp.float32)
    acc += jax.lax.dot_general(
        w2_ref[...], ep, (((0,), (1,)), ((), ())),
        preferred_element_type=jnp.float32)
    o_ref[...] = acc + b_ref[...]


def _tc_project(ec, ep, w1, w2, bcol):
    grid = (BATCH // _MM_BLK,)
    return pl.pallas_call(
        _mm_body,
        grid=grid,
        in_specs=[
            pl.BlockSpec((_MM_BLK, PAD_DIM), lambda i: (i, 0)),
            pl.BlockSpec((_MM_BLK, PAD_DIM), lambda i: (i, 0)),
            pl.BlockSpec((EMBED_DIM, OUT_DIM), lambda i: (0, 0)),
            pl.BlockSpec((EMBED_DIM, OUT_DIM), lambda i: (0, 0)),
            pl.BlockSpec((OUT_DIM, 1), lambda i: (0, 0)),
        ],
        out_specs=pl.BlockSpec((OUT_DIM, _MM_BLK), lambda i: (0, i)),
        out_shape=jax.ShapeDtypeStruct((OUT_DIM, BATCH), jnp.float32),
    )(ec, ep, w1, w2, bcol)


@jax.jit
def kernel(indices, parents, code_table, hier_table, W, b):
    code_pad, hier_pad = _tc_transpose_pad(code_table.T, hier_table.T)
    code_lin = code_pad.reshape(4 * VOCAB, EMBED_DIM)
    hier_lin = hier_pad.reshape(4 * HIER_VOCAB, EMBED_DIM)
    ec, ep = _sc_gather(indices, parents, code_lin, hier_lin)
    w1 = W[:EMBED_DIM]
    w2 = W[EMBED_DIM:]
    out_t = _tc_project(ec, ep, w1, w2, b.reshape(OUT_DIM, 1))
    return out_t.T

# --- scband reference (transcript-rebuilt; emitter-appended) ---
"""Pipeline reference for scband-high-cardinality-encoder-60189671686779 (READ-ONLY COPY).

The authoritative reference and input builder live on the scoring server;
editing this copy changes nothing except your own understanding.
"""

import jax, jax.numpy as jnp
import numpy as np

BATCH = 16384
VOCAB = 100000
HIER_VOCAB = VOCAB // 10
EMBED_DIM = 32
OUT_DIM = 32


def setup_inputs(seed: int = 0) -> dict:
    key = jax.random.key(seed)
    k1, k2, k3, k4, k5, k6 = jax.random.split(key, 6)
    indices = jax.random.randint(k1, (BATCH,), 0, VOCAB, dtype=jnp.int64 if jax.config.jax_enable_x64 else jnp.int32)
    parents = jax.random.randint(k2, (BATCH,), 0, HIER_VOCAB, dtype=jnp.int64 if jax.config.jax_enable_x64 else jnp.int32)
    code_table = jax.random.normal(k3, (VOCAB, EMBED_DIM), dtype=jnp.float32)
    hier_table = jax.random.normal(k4, (HIER_VOCAB, EMBED_DIM), dtype=jnp.float32)
    # Linear: weight [out, in] as in torch; we store transposed [in, out] for matmul
    W = jax.random.normal(k5, (EMBED_DIM * 2, OUT_DIM), dtype=jnp.float32) * (1.0 / np.sqrt(EMBED_DIM * 2))
    b = jax.random.normal(k6, (OUT_DIM,), dtype=jnp.float32) * 0.01
    return {"indices": indices, "parents": parents, "code_table": code_table, "hier_table": hier_table, "W": W, "b": b}


def reference(indices, parents, code_table, hier_table, W, b):
    e_code = jnp.take(code_table, indices, axis=0)
    e_parent = jnp.take(hier_table, parents, axis=0)
    x = jnp.concatenate([e_code, e_parent], axis=-1)
    return x @ W + b

if __name__ == "__main__":
    import jax
    _d = setup_inputs()
    print(jax.jit(kernel)(*tuple(_d.values())))

</pallas_src>

<mosaic_0001>
#map = affine_map<(d0, d1) -> (0)>
#map1 = affine_map<(d0, d1) -> (0, 0)>
module attributes {stable_mosaic.version = 14 : i64} {
  func.func @_sc_gather_body(%arg0: i32, %arg1: i32, %arg2: memref<16384xi32, #tpu.memory_space<hbm>>, %arg3: memref<16384xi32, #tpu.memory_space<hbm>>, %arg4: memref<400000x32xf32, #tpu.memory_space<hbm>>, %arg5: memref<40000x32xf32, #tpu.memory_space<hbm>>, %arg6: memref<16384x128xf32, #tpu.memory_space<hbm>>, %arg7: memref<16384x128xf32, #tpu.memory_space<hbm>>, %arg8: memref<4x128xi32, #tpu.memory_space<vmem>>, %arg9: memref<4x128xi32, #tpu.memory_space<vmem>>, %arg10: memref<128x32xf32, #tpu.memory_space<vmem>>, %arg11: memref<128x32xf32, #tpu.memory_space<vmem>>, %arg12: memref<128x32xf32, #tpu.memory_space<vmem>>, %arg13: memref<128x32xf32, #tpu.memory_space<vmem>>, %arg14: memref<128x32xf32, #tpu.memory_space<vmem>>, %arg15: memref<128x32xf32, #tpu.memory_space<vmem>>, %arg16: memref<128x32xf32, #tpu.memory_space<vmem>>, %arg17: memref<128x32xf32, #tpu.memory_space<vmem>>, %arg18: memref<!tpu.dma_semaphore, #tpu.memory_space<semaphore_mem>>, %arg19: memref<!tpu.dma_semaphore, #tpu.memory_space<semaphore_mem>>, %arg20: memref<!tpu.dma_semaphore, #tpu.memory_space<semaphore_mem>>) attributes {dimension_semantics = [#tpu.dimension_semantics<core_parallel>, #tpu.dimension_semantics<subcore_parallel>], iteration_bounds = array<i64: 2, 16>, scalar_prefetch = 0 : i64, scratch_operands = 13 : i64, tpu.core_type = #tpu.core_type<sc_vector_subcore>, window_params = [{transform_indices = #map}, {transform_indices = #map}, {transform_indices = #map1}, {transform_indices = #map1}, {transform_indices = #map1}, {transform_indices = #map1}]} {
    %mul3A = arith.constant 2 : i32
    %mul3A_0 = arith.muli %arg1, %mul3A : i32
    %add3A = arith.addi %mul3A_0, %arg0 : i32
    %mul3A_1 = arith.constant 512 : i32
    %mul3A_2 = arith.muli %add3A, %mul3A_1 : i32
    %add3A_3 = arith.constant 0 : i32
    %add3A_4 = arith.addi %mul3A_2, %add3A_3 : i32
    %dma_start3A = arith.constant 0 : i32
    %dma_start3A_5 = arith.constant 0 : i32
    %dma_start3A_6 = tpu.memref_slice %arg8[%dma_start3A, %dma_start3A_5] : memref<4x128xi32, #tpu.memory_space<vmem>> -> memref<1x128xi32, #tpu.memory_space<vmem>>
    %dma_start3A_7 = tpu.memref_squeeze %dma_start3A_6 : memref<1x128xi32, #tpu.memory_space<vmem>> -> memref<128xi32, #tpu.memory_space<vmem>>
    %dma_start3A_8 = tpu.memref_slice %arg2[%add3A_4] : memref<16384xi32, #tpu.memory_space<hbm>> -> memref<128xi32, #tpu.memory_space<hbm>>
    %dma_start3A_9 = arith.constant 0 : i32
    %dma_start3A_10 = tpu.memref_slice %arg8[%dma_start3A, %dma_start3A_9] : memref<4x128xi32, #tpu.memory_space<vmem>> -> memref<1x128xi32, #tpu.memory_space<vmem>>
    %dma_start3A_11 = tpu.memref_squeeze %dma_start3A_10 : memref<1x128xi32, #tpu.memory_space<vmem>> -> memref<128xi32, #tpu.memory_space<vmem>>
    %dma_start3A_12 = tpu.memref_slice %arg2[%add3A_4] : memref<16384xi32, #tpu.memory_space<hbm>> -> memref<128xi32, #tpu.memory_space<hbm>>
    tpu.enqueue_dma source(%dma_start3A_12 : memref<128xi32, #tpu.memory_space<hbm>>) target(%dma_start3A_11 : memref<128xi32, #tpu.memory_space<vmem>>) target_semaphore(%arg18 : memref<!tpu.dma_semaphore, #tpu.memory_space<semaphore_mem>>)
    %dma_start3A_13 = arith.constant 0 : i32
    %dma_start3A_14 = arith.constant 0 : i32
    %dma_start3A_15 = tpu.memref_slice %arg9[%dma_start3A_13, %dma_start3A_14] : memref<4x128xi32, #tpu.memory_space<vmem>> -> memref<1x128xi32, #tpu.memory_space<vmem>>
    %dma_start3A_16 = tpu.memref_squeeze %dma_start3A_15 : memref<1x128xi32, #tpu.memory_space<vmem>> -> memref<128xi32, #tpu.memory_space<vmem>>
    %dma_start3A_17 = tpu.memref_slice %arg3[%add3A_4] : memref<16384xi32, #tpu.memory_space<hbm>> -> memref<128xi32, #tpu.memory_space<hbm>>
    %dma_start3A_18 = arith.constant 0 : i32
    %dma_start3A_19 = tpu.memref_slice %arg9[%dma_start3A_13, %dma_start3A_18] : memref<4x128xi32, #tpu.memory_space<vmem>> -> memref<1x128xi32, #tpu.memory_space<vmem>>
    %dma_start3A_20 = tpu.memref_squeeze %dma_start3A_19 : memref<1x128xi32, #tpu.memory_space<vmem>> -> memref<128xi32, #tpu.memory_space<vmem>>
    %dma_start3A_21 = tpu.memref_slice %arg3[%add3A_4] : memref<16384xi32, #tpu.memory_space<hbm>> -> memref<128xi32, #tpu.memory_space<hbm>>
    tpu.enqueue_dma source(%dma_start3A_21 : memref<128xi32, #tpu.memory_space<hbm>>) target(%dma_start3A_20 : memref<128xi32, #tpu.memory_space<vmem>>) target_semaphore(%arg19 : memref<!tpu.dma_semaphore, #tpu.memory_space<semaphore_mem>>)
    %add3A_22 = arith.constant 128 : i32
    %add3A_23 = arith.addi %mul3A_2, %add3A_22 : i32
    %dma_start3A_24 = arith.constant 1 : i32
    %dma_start3A_25 = arith.constant 0 : i32
    %dma_start3A_26 = tpu.memref_slice %arg8[%dma_start3A_24, %dma_start3A_25] : memref<4x128xi32, #tpu.memory_space<vmem>> -> memref<1x128xi32, #tpu.memory_space<vmem>>
    %dma_start3A_27 = tpu.memref_squeeze %dma_start3A_26 : memref<1x128xi32, #tpu.memory_space<vmem>> -> memref<128xi32, #tpu.memory_space<vmem>>
    %dma_start3A_28 = tpu.memref_slice %arg2[%add3A_23] : memref<16384xi32, #tpu.memory_space<hbm>> -> memref<128xi32, #tpu.memory_space<hbm>>
    %dma_start3A_29 = arith.constant 0 : i32
    %dma_start3A_30 = tpu.memref_slice %arg8[%dma_start3A_24, %dma_start3A_29] : memref<4x128xi32, #tpu.memory_space<vmem>> -> memref<1x128xi32, #tpu.memory_space<vmem>>
    %dma_start3A_31 = tpu.memref_squeeze %dma_start3A_30 : memref<1x128xi32, #tpu.memory_space<vmem>> -> memref<128xi32, #tpu.memory_space<vmem>>
    %dma_start3A_32 = tpu.memref_slice %arg2[%add3A_23] : memref<16384xi32, #tpu.memory_space<hbm>> -> memref<128xi32, #tpu.memory_space<hbm>>
    tpu.enqueue_dma source(%dma_start3A_32 : memref<128xi32, #tpu.memory_space<hbm>>) target(%dma_start3A_31 : memref<128xi32, #tpu.memory_space<vmem>>) target_semaphore(%arg18 : memref<!tpu.dma_semaphore, #tpu.memory_space<semaphore_mem>>)
    %dma_start3A_33 = arith.constant 1 : i32
    %dma_start3A_34 = arith.constant 0 : i32
    %dma_start3A_35 = tpu.memref_slice %arg9[%dma_start3A_33, %dma_start3A_34] : memref<4x128xi32, #tpu.memory_space<vmem>> -> memref<1x128xi32, #tpu.memory_space<vmem>>
    %dma_start3A_36 = tpu.memref_squeeze %dma_start3A_35 : memref<1x128xi32, #tpu.memory_space<vmem>> -> memref<128xi32, #tpu.memory_space<vmem>>
    %dma_start3A_37 = tpu.memref_slice %arg3[%add3A_23] : memref<16384xi32, #tpu.memory_space<hbm>> -> memref<128xi32, #tpu.memory_space<hbm>>
    %dma_start3A_38 = arith.constant 0 : i32
    %dma_start3A_39 = tpu.memref_slice %arg9[%dma_start3A_33, %dma_start3A_38] : memref<4x128xi32, #tpu.memory_space<vmem>> -> memref<1x128xi32, #tpu.memory_space<vmem>>
    %dma_start3A_40 = tpu.memref_squeeze %dma_start3A_39 : memref<1x128xi32, #tpu.memory_space<vmem>> -> memref<128xi32, #tpu.memory_space<vmem>>
    %dma_start3A_41 = tpu.memref_slice %arg3[%add3A_23] : memref<16384xi32, #tpu.memory_space<hbm>> -> memref<128xi32, #tpu.memory_space<hbm>>
    tpu.enqueue_dma source(%dma_start3A_41 : memref<128xi32, #tpu.memory_space<hbm>>) target(%dma_start3A_40 : memref<128xi32, #tpu.memory_space<vmem>>) target_semaphore(%arg19 : memref<!tpu.dma_semaphore, #tpu.memory_space<semaphore_mem>>)
    %add3A_42 = arith.constant 256 : i32
    %add3A_43 = arith.addi %mul3A_2, %add3A_42 : i32
    %dma_start3A_44 = arith.constant 2 : i32
    %dma_start3A_45 = arith.constant 0 : i32
    %dma_start3A_46 = tpu.memref_slice %arg8[%dma_start3A_44, %dma_start3A_45] : memref<4x128xi32, #tpu.memory_space<vmem>> -> memref<1x128xi32, #tpu.memory_space<vmem>>
    %dma_start3A_47 = tpu.memref_squeeze %dma_start3A_46 : memref<1x128xi32, #tpu.memory_space<vmem>> -> memref<128xi32, #tpu.memory_space<vmem>>
    %dma_start3A_48 = tpu.memref_slice %arg2[%add3A_43] : memref<16384xi32, #tpu.memory_space<hbm>> -> memref<128xi32, #tpu.memory_space<hbm>>
    %dma_start3A_49 = arith.constant 0 : i32
    %dma_start3A_50 = tpu.memref_slice %arg8[%dma_start3A_44, %dma_start3A_49] : memref<4x128xi32, #tpu.memory_space<vmem>> -> memref<1x128xi32, #tpu.memory_space<vmem>>
    %dma_start3A_51 = tpu.memref_squeeze %dma_start3A_50 : memref<1x128xi32, #tpu.memory_space<vmem>> -> memref<128xi32, #tpu.memory_space<vmem>>
    %dma_start3A_52 = tpu.memref_slice %arg2[%add3A_43] : memref<16384xi32, #tpu.memory_space<hbm>> -> memref<128xi32, #tpu.memory_space<hbm>>
    tpu.enqueue_dma source(%dma_start3A_52 : memref<128xi32, #tpu.memory_space<hbm>>) target(%dma_start3A_51 : memref<128xi32, #tpu.memory_space<vmem>>) target_semaphore(%arg18 : memref<!tpu.dma_semaphore, #tpu.memory_space<semaphore_mem>>)
    %dma_start3A_53 = arith.constant 2 : i32
    %dma_start3A_54 = arith.constant 0 : i32
    %dma_start3A_55 = tpu.memref_slice %arg9[%dma_start3A_53, %dma_start3A_54] : memref<4x128xi32, #tpu.memory_space<vmem>> -> memref<1x128xi32, #tpu.memory_space<vmem>>
    %dma_start3A_56 = tpu.memref_squeeze %dma_start3A_55 : memref<1x128xi32, #tpu.memory_space<vmem>> -> memref<128xi32, #tpu.memory_space<vmem>>
    %dma_start3A_57 = tpu.memref_slice %arg3[%add3A_43] : memref<16384xi32, #tpu.memory_space<hbm>> -> memref<128xi32, #tpu.memory_space<hbm>>
    %dma_start3A_58 = arith.constant 0 : i32
    %dma_start3A_59 = tpu.memref_slice %arg9[%dma_start3A_53, %dma_start3A_58] : memref<4x128xi32, #tpu.memory_space<vmem>> -> memref<1x128xi32, #tpu.memory_space<vmem>>
    %dma_start3A_60 = tpu.memref_squeeze %dma_start3A_59 : memref<1x128xi32, #tpu.memory_space<vmem>> -> memref<128xi32, #tpu.memory_space<vmem>>
    %dma_start3A_61 = tpu.memref_slice %arg3[%add3A_43] : memref<16384xi32, #tpu.memory_space<hbm>> -> memref<128xi32, #tpu.memory_space<hbm>>
    tpu.enqueue_dma source(%dma_start3A_61 : memref<128xi32, #tpu.memory_space<hbm>>) target(%dma_start3A_60 : memref<128xi32, #tpu.memory_space<vmem>>) target_semaphore(%arg19 : memref<!tpu.dma_semaphore, #tpu.memory_space<semaphore_mem>>)
    %add3A_62 = arith.constant 384 : i32
    %add3A_63 = arith.addi %mul3A_2, %add3A_62 : i32
    %dma_start3A_64 = arith.constant 3 : i32
    %dma_start3A_65 = arith.constant 0 : i32
    %dma_start3A_66 = tpu.memref_slice %arg8[%dma_start3A_64, %dma_start3A_65] : memref<4x128xi32, #tpu.memory_space<vmem>> -> memref<1x128xi32, #tpu.memory_space<vmem>>
    %dma_start3A_67 = tpu.memref_squeeze %dma_start3A_66 : memref<1x128xi32, #tpu.memory_space<vmem>> -> memref<128xi32, #tpu.memory_space<vmem>>
    %dma_start3A_68 = tpu.memref_slice %arg2[%add3A_63] : memref<16384xi32, #tpu.memory_space<hbm>> -> memref<128xi32, #tpu.memory_space<hbm>>
    %dma_start3A_69 = arith.constant 0 : i32
    %dma_start3A_70 = tpu.memref_slice %arg8[%dma_start3A_64, %dma_start3A_69] : memref<4x128xi32, #tpu.memory_space<vmem>> -> memref<1x128xi32, #tpu.memory_space<vmem>>
    %dma_start3A_71 = tpu.memref_squeeze %dma_start3A_70 : memref<1x128xi32, #tpu.memory_space<vmem>> -> memref<128xi32, #tpu.memory_space<vmem>>
    %dma_start3A_72 = tpu.memref_slice %arg2[%add3A_63] : memref<16384xi32, #tpu.memory_space<hbm>> -> memref<128xi32, #tpu.memory_space<hbm>>
    tpu.enqueue_dma source(%dma_start3A_72 : memref<128xi32, #tpu.memory_space<hbm>>) target(%dma_start3A_71 : memref<128xi32, #tpu.memory_space<vmem>>) target_semaphore(%arg18 : memref<!tpu.dma_semaphore, #tpu.memory_space<semaphore_mem>>)
    %dma_start3A_73 = arith.constant 3 : i32
    %dma_start3A_74 = arith.constant 0 : i32
    %dma_start3A_75 = tpu.memref_slice %arg9[%dma_start3A_73, %dma_start3A_74] : memref<4x128xi32, #tpu.memory_space<vmem>> -> memref<1x128xi32, #tpu.memory_space<vmem>>
    %dma_start3A_76 = tpu.memref_squeeze %dma_start3A_75 : memref<1x128xi32, #tpu.memory_space<vmem>> -> memref<128xi32, #tpu.memory_space<vmem>>
    %dma_start3A_77 = tpu.memref_slice %arg3[%add3A_63] : memref<16384xi32, #tpu.memory_space<hbm>> -> memref<128xi32, #tpu.memory_space<hbm>>
    %dma_start3A_78 = arith.constant 0 : i32
    %dma_start3A_79 = tpu.memref_slice %arg9[%dma_start3A_73, %dma_start3A_78] : memref<4x128xi32, #tpu.memory_space<vmem>> -> memref<1x128xi32, #tpu.memory_space<vmem>>
    %dma_start3A_80 = tpu.memref_squeeze %dma_start3A_79 : memref<1x128xi32, #tpu.memory_space<vmem>> -> memref<128xi32, #tpu.memory_space<vmem>>
    %dma_start3A_81 = tpu.memref_slice %arg3[%add3A_63] : memref<16384xi32, #tpu.memory_space<hbm>> -> memref<128xi32, #tpu.memory_space<hbm>>
    tpu.enqueue_dma source(%dma_start3A_81 : memref<128xi32, #tpu.memory_space<hbm>>) target(%dma_start3A_80 : memref<128xi32, #tpu.memory_space<vmem>>) target_semaphore(%arg19 : memref<!tpu.dma_semaphore, #tpu.memory_space<semaphore_mem>>)
    %dma_wait3A = arith.constant 0 : i32
    %dma_wait3A_82 = arith.constant 0 : i32
    %dma_wait3A_83 = tpu.memref_slice %arg8[%dma_wait3A, %dma_wait3A_82] : memref<4x128xi32, #tpu.memory_space<vmem>> -> memref<1x128xi32, #tpu.memory_space<vmem>>
    %dma_wait3A_84 = tpu.memref_squeeze %dma_wait3A_83 : memref<1x128xi32, #tpu.memory_space<vmem>> -> memref<128xi32, #tpu.memory_space<vmem>>
    %dma_wait3A_85 = tpu.memref_slice %arg2[%add3A_4] : memref<16384xi32, #tpu.memory_space<hbm>> -> memref<128xi32, #tpu.memory_space<hbm>>
    %dma_wait3A_86 = arith.constant 0 : i32
    %dma_wait3A_87 = tpu.memref_slice %arg8[%dma_wait3A, %dma_wait3A_86] : memref<4x128xi32, #tpu.memory_space<vmem>> -> memref<1x128xi32, #tpu.memory_space<vmem>>
    %dma_wait3A_88 = tpu.memref_squeeze %dma_wait3A_87 : memref<1x128xi32, #tpu.memory_space<vmem>> -> memref<128xi32, #tpu.memory_space<vmem>>
    %dma_wait3A_89 = tpu.memref_slice %arg2[%add3A_4] : memref<16384xi32, #tpu.memory_space<hbm>> -> memref<128xi32, #tpu.memory_space<hbm>>
    tpu.wait_dma2 semaphore(%arg18 : memref<!tpu.dma_semaphore, #tpu.memory_space<semaphore_mem>>) src(%dma_wait3A_89 : memref<128xi32, #tpu.memory_space<hbm>>) dst(%dma_wait3A_88 : memref<128xi32, #tpu.memory_space<vmem>>)
    %dma_wait3A_90 = arith.constant 0 : i32
    %dma_wait3A_91 = arith.constant 0 : i32
    %dma_wait3A_92 = tpu.memref_slice %arg9[%dma_wait3A_90, %dma_wait3A_91] : memref<4x128xi32, #tpu.memory_space<vmem>> -> memref<1x128xi32, #tpu.memory_space<vmem>>
    %dma_wait3A_93 = tpu.memref_squeeze %dma_wait3A_92 : memref<1x128xi32, #tpu.memory_space<vmem>> -> memref<128xi32, #tpu.memory_space<vmem>>
    %dma_wait3A_94 = tpu.memref_slice %arg3[%add3A_4] : memref<16384xi32, #tpu.memory_space<hbm>> -> memref<128xi32, #tpu.memory_space<hbm>>
    %dma_wait3A_95 = arith.constant 0 : i32
    %dma_wait3A_96 = tpu.memref_slice %arg9[%dma_wait3A_90, %dma_wait3A_95] : memref<4x128xi32, #tpu.memory_space<vmem>> -> memref<1x128xi32, #tpu.memory_space<vmem>>
    %dma_wait3A_97 = tpu.memref_squeeze %dma_wait3A_96 : memref<1x128xi32, #tpu.memory_space<vmem>> -> memref<128xi32, #tpu.memory_space<vmem>>
    %dma_wait3A_98 = tpu.memref_slice %arg3[%add3A_4] : memref<16384xi32, #tpu.memory_space<hbm>> -> memref<128xi32, #tpu.memory_space<hbm>>
    tpu.wait_dma2 semaphore(%arg19 : memref<!tpu.dma_semaphore, #tpu.memory_space<semaphore_mem>>) src(%dma_wait3A_98 : memref<128xi32, #tpu.memory_space<hbm>>) dst(%dma_wait3A_97 : memref<128xi32, #tpu.memory_space<vmem>>)
    %dma_wait3A_99 = arith.constant 1 : i32
    %dma_wait3A_100 = arith.constant 0 : i32
    %dma_wait3A_101 = tpu.memref_slice %arg8[%dma_wait3A_99, %dma_wait3A_100] : memref<4x128xi32, #tpu.memory_space<vmem>> -> memref<1x128xi32, #tpu.memory_space<vmem>>
    %dma_wait3A_102 = tpu.memref_squeeze %dma_wait3A_101 : memref<1x128xi32, #tpu.memory_space<vmem>> -> memref<128xi32, #tpu.memory_space<vmem>>
    %dma_wait3A_103 = tpu.memref_slice %arg2[%add3A_23] : memref<16384xi32, #tpu.memory_space<hbm>> -> memref<128xi32, #tpu.memory_space<hbm>>
    %dma_wait3A_104 = arith.constant 0 : i32
    %dma_wait3A_105 = tpu.memref_slice %arg8[%dma_wait3A_99, %dma_wait3A_104] : memref<4x128xi32, #tpu.memory_space<vmem>> -> memref<1x128xi32, #tpu.memory_space<vmem>>
    %dma_wait3A_106 = tpu.memref_squeeze %dma_wait3A_105 : memref<1x128xi32, #tpu.memory_space<vmem>> -> memref<128xi32, #tpu.memory_space<vmem>>
    %dma_wait3A_107 = tpu.memref_slice %arg2[%add3A_23] : memref<16384xi32, #tpu.memory_space<hbm>> -> memref<128xi32, #tpu.memory_space<hbm>>
    tpu.wait_dma2 semaphore(%arg18 : memref<!tpu.dma_semaphore, #tpu.memory_space<semaphore_mem>>) src(%dma_wait3A_107 : memref<128xi32, #tpu.memory_space<hbm>>) dst(%dma_wait3A_106 : memref<128xi32, #tpu.memory_space<vmem>>)
    %dma_wait3A_108 = arith.constant 1 : i32
    %dma_wait3A_109 = arith.constant 0 : i32
    %dma_wait3A_110 = tpu.memref_slice %arg9[%dma_wait3A_108, %dma_wait3A_109] : memref<4x128xi32, #tpu.memory_space<vmem>> -> memref<1x128xi32, #tpu.memory_space<vmem>>
    %dma_wait3A_111 = tpu.memref_squeeze %dma_wait3A_110 : memref<1x128xi32, #tpu.memory_space<vmem>> -> memref<128xi32, #tpu.memory_space<vmem>>
    %dma_wait3A_112 = tpu.memref_slice %arg3[%add3A_23] : memref<16384xi32, #tpu.memory_space<hbm>> -> memref<128xi32, #tpu.memory_space<hbm>>
    %dma_wait3A_113 = arith.constant 0 : i32
    %dma_wait3A_114 = tpu.memref_slice %arg9[%dma_wait3A_108, %dma_wait3A_113] : memref<4x128xi32, #tpu.memory_space<vmem>> -> memref<1x128xi32, #tpu.memory_space<vmem>>
    %dma_wait3A_115 = tpu.memref_squeeze %dma_wait3A_114 : memref<1x128xi32, #tpu.memory_space<vmem>> -> memref<128xi32, #tpu.memory_space<vmem>>
    %dma_wait3A_116 = tpu.memref_slice %arg3[%add3A_23] : memref<16384xi32, #tpu.memory_space<hbm>> -> memref<128xi32, #tpu.memory_space<hbm>>
    tpu.wait_dma2 semaphore(%arg19 : memref<!tpu.dma_semaphore, #tpu.memory_space<semaphore_mem>>) src(%dma_wait3A_116 : memref<128xi32, #tpu.memory_space<hbm>>) dst(%dma_wait3A_115 : memref<128xi32, #tpu.memory_space<vmem>>)
    %dma_wait3A_117 = arith.constant 2 : i32
    %dma_wait3A_118 = arith.constant 0 : i32
    %dma_wait3A_119 = tpu.memref_slice %arg8[%dma_wait3A_117, %dma_wait3A_118] : memref<4x128xi32, #tpu.memory_space<vmem>> -> memref<1x128xi32, #tpu.memory_space<vmem>>
    %dma_wait3A_120 = tpu.memref_squeeze %dma_wait3A_119 : memref<1x128xi32, #tpu.memory_space<vmem>> -> memref<128xi32, #tpu.memory_space<vmem>>
    %dma_wait3A_121 = tpu.memref_slice %arg2[%add3A_43] : memref<16384xi32, #tpu.memory_space<hbm>> -> memref<128xi32, #tpu.memory_space<hbm>>
    %dma_wait3A_122 = arith.constant 0 : i32
    %dma_wait3A_123 = tpu.memref_slice %arg8[%dma_wait3A_117, %dma_wait3A_122] : memref<4x128xi32, #tpu.memory_space<vmem>> -> memref<1x128xi32, #tpu.memory_space<vmem>>
    %dma_wait3A_124 = tpu.memref_squeeze %dma_wait3A_123 : memref<1x128xi32, #tpu.memory_space<vmem>> -> memref<128xi32, #tpu.memory_space<vmem>>
    %dma_wait3A_125 = tpu.memref_slice %arg2[%add3A_43] : memref<16384xi32, #tpu.memory_space<hbm>> -> memref<128xi32, #tpu.memory_space<hbm>>
    tpu.wait_dma2 semaphore(%arg18 : memref<!tpu.dma_semaphore, #tpu.memory_space<semaphore_mem>>) src(%dma_wait3A_125 : memref<128xi32, #tpu.memory_space<hbm>>) dst(%dma_wait3A_124 : memref<128xi32, #tpu.memory_space<vmem>>)
    %dma_wait3A_126 = arith.constant 2 : i32
    %dma_wait3A_127 = arith.constant 0 : i32
    %dma_wait3A_128 = tpu.memref_slice %arg9[%dma_wait3A_126, %dma_wait3A_127] : memref<4x128xi32, #tpu.memory_space<vmem>> -> memref<1x128xi32, #tpu.memory_space<vmem>>
    %dma_wait3A_129 = tpu.memref_squeeze %dma_wait3A_128 : memref<1x128xi32, #tpu.memory_space<vmem>> -> memref<128xi32, #tpu.memory_space<vmem>>
    %dma_wait3A_130 = tpu.memref_slice %arg3[%add3A_43] : memref<16384xi32, #tpu.memory_space<hbm>> -> memref<128xi32, #tpu.memory_space<hbm>>
    %dma_wait3A_131 = arith.constant 0 : i32
    %dma_wait3A_132 = tpu.memref_slice %arg9[%dma_wait3A_126, %dma_wait3A_131] : memref<4x128xi32, #tpu.memory_space<vmem>> -> memref<1x128xi32, #tpu.memory_space<vmem>>
    %dma_wait3A_133 = tpu.memref_squeeze %dma_wait3A_132 : memref<1x128xi32, #tpu.memory_space<vmem>> -> memref<128xi32, #tpu.memory_space<vmem>>
    %dma_wait3A_134 = tpu.memref_slice %arg3[%add3A_43] : memref<16384xi32, #tpu.memory_space<hbm>> -> memref<128xi32, #tpu.memory_space<hbm>>
    tpu.wait_dma2 semaphore(%arg19 : memref<!tpu.dma_semaphore, #tpu.memory_space<semaphore_mem>>) src(%dma_wait3A_134 : memref<128xi32, #tpu.memory_space<hbm>>) dst(%dma_wait3A_133 : memref<128xi32, #tpu.memory_space<vmem>>)
    %dma_wait3A_135 = arith.constant 3 : i32
    %dma_wait3A_136 = arith.constant 0 : i32
    %dma_wait3A_137 = tpu.memref_slice %arg8[%dma_wait3A_135, %dma_wait3A_136] : memref<4x128xi32, #tpu.memory_space<vmem>> -> memref<1x128xi32, #tpu.memory_space<vmem>>
    %dma_wait3A_138 = tpu.memref_squeeze %dma_wait3A_137 : memref<1x128xi32, #tpu.memory_space<vmem>> -> memref<128xi32, #tpu.memory_space<vmem>>
    %dma_wait3A_139 = tpu.memref_slice %arg2[%add3A_63] : memref<16384xi32, #tpu.memory_space<hbm>> -> memref<128xi32, #tpu.memory_space<hbm>>
    %dma_wait3A_140 = arith.constant 0 : i32
    %dma_wait3A_141 = tpu.memref_slice %arg8[%dma_wait3A_135, %dma_wait3A_140] : memref<4x128xi32, #tpu.memory_space<vmem>> -> memref<1x128xi32, #tpu.memory_space<vmem>>
    %dma_wait3A_142 = tpu.memref_squeeze %dma_wait3A_141 : memref<1x128xi32, #tpu.memory_space<vmem>> -> memref<128xi32, #tpu.memory_space<vmem>>
    %dma_wait3A_143 = tpu.memref_slice %arg2[%add3A_63] : memref<16384xi32, #tpu.memory_space<hbm>> -> memref<128xi32, #tpu.memory_space<hbm>>
    tpu.wait_dma2 semaphore(%arg18 : memref<!tpu.dma_semaphore, #tpu.memory_space<semaphore_mem>>) src(%dma_wait3A_143 : memref<128xi32, #tpu.memory_space<hbm>>) dst(%dma_wait3A_142 : memref<128xi32, #tpu.memory_space<vmem>>)
    %dma_wait3A_144 = arith.constant 3 : i32
    %dma_wait3A_145 = arith.constant 0 : i32
    %dma_wait3A_146 = tpu.memref_slice %arg9[%dma_wait3A_144, %dma_wait3A_145] : memref<4x128xi32, #tpu.memory_space<vmem>> -> memref<1x128xi32, #tpu.memory_space<vmem>>
    %dma_wait3A_147 = tpu.memref_squeeze %dma_wait3A_146 : memref<1x128xi32, #tpu.memory_space<vmem>> -> memref<128xi32, #tpu.memory_space<vmem>>
    %dma_wait3A_148 = tpu.memref_slice %arg3[%add3A_63] : memref<16384xi32, #tpu.memory_space<hbm>> -> memref<128xi32, #tpu.memory_space<hbm>>
    %dma_wait3A_149 = arith.constant 0 : i32
    %dma_wait3A_150 = tpu.memref_slice %arg9[%dma_wait3A_144, %dma_wait3A_149] : memref<4x128xi32, #tpu.memory_space<vmem>> -> memref<1x128xi32, #tpu.memory_space<vmem>>
    %dma_wait3A_151 = tpu.memref_squeeze %dma_wait3A_150 : memref<1x128xi32, #tpu.memory_space<vmem>> -> memref<128xi32, #tpu.memory_space<vmem>>
    %dma_wait3A_152 = tpu.memref_slice %arg3[%add3A_63] : memref<16384xi32, #tpu.memory_space<hbm>> -> memref<128xi32, #tpu.memory_space<hbm>>
    tpu.wait_dma2 semaphore(%arg19 : memref<!tpu.dma_semaphore, #tpu.memory_space<semaphore_mem>>) src(%dma_wait3A_152 : memref<128xi32, #tpu.memory_space<hbm>>) dst(%dma_wait3A_151 : memref<128xi32, #tpu.memory_space<vmem>>)
    %get3A = arith.constant 0 : i32
    %get3A_153 = arith.index_cast %get3A : i32 to index
    %get3A_154 = arith.constant 0 : index
    %get3A_155 = tpu.vector_load %arg8[%get3A_153, %get3A_154] {strides = array<i32>} : memref<4x128xi32, #tpu.memory_space<vmem>>, vector<1x16xi32>,
    %get3A_156 = vector.shape_cast %get3A_155 : vector<1x16xi32> to vector<16xi32>
    %mul3A_157 = arith.constant 4 : i32
    %mul3A_158 = vector.broadcast %mul3A_157 : i32 to vector<16xi32>
    %mul3A_159 = arith.muli %get3A_156, %mul3A_158 : vector<16xi32>
    %swap3A = arith.constant 0 : i32
    %swap3A_160 = arith.index_cast %swap3A : i32 to index
    %swap3A_161 = arith.constant 0 : index
    %swap3A_162 = tpu.vector_load %arg8[%swap3A_160, %swap3A_161] {strides = array<i32>} : memref<4x128xi32, #tpu.memory_space<vmem>>, vector<1x16xi32>,
    %swap3A_163 = vector.shape_cast %swap3A_162 : vector<1x16xi32> to vector<16xi32>
    %swap3A_164 = vector.shape_cast %mul3A_159 : vector<16xi32> to vector<1x16xi32>
    tpu.vector_store %arg8[%swap3A_160, %swap3A_161], %swap3A_164 {strides = array<i32>} : memref<4x128xi32, #tpu.memory_space<vmem>>, vector<1x16xi32>,
    %get3A_165 = arith.constant 0 : i32
    %get3A_166 = arith.index_cast %get3A_165 : i32 to index
    %get3A_167 = arith.constant 16 : index
    %get3A_168 = tpu.vector_load %arg8[%get3A_166, %get3A_167] {strides = array<i32>} : memref<4x128xi32, #tpu.memory_space<vmem>>, vector<1x16xi32>,
    %get3A_169 = vector.shape_cast %get3A_168 : vector<1x16xi32> to vector<16xi32>
    %mul3A_170 = arith.constant 4 : i32
    %mul3A_171 = vector.broadcast %mul3A_170 : i32 to vector<16xi32>
    %mul3A_172 = arith.muli %get3A_169, %mul3A_171 : vector<16xi32>
    %swap3A_173 = arith.constant 0 : i32
    %swap3A_174 = arith.index_cast %swap3A_173 : i32 to index
    %swap3A_175 = arith.constant 16 : index
    %swap3A_176 = tpu.vector_load %arg8[%swap3A_174, %swap3A_175] {strides = array<i32>} : memref<4x128xi32, #tpu.memory_space<vmem>>, vector<1x16xi32>,
    %swap3A_177 = vector.shape_cast %swap3A_176 : vector<1x16xi32> to vector<16xi32>
    %swap3A_178 = vector.shape_cast %mul3A_172 : vector<16xi32> to vector<1x16xi32>
    tpu.vector_store %arg8[%swap3A_174, %swap3A_175], %swap3A_178 {strides = array<i32>} : memref<4x128xi32, #tpu.memory_space<vmem>>, vector<1x16xi32>,
    %get3A_179 = arith.constant 0 : i32
    %get3A_180 = arith.index_cast %get3A_179 : i32 to index
    %get3A_181 = arith.constant 32 : index
    %get3A_182 = tpu.vector_load %arg8[%get3A_180, %get3A_181] {strides = array<i32>} : memref<4x128xi32, #tpu.memory_space<vmem>>, vector<1x16xi32>,
    %get3A_183 = vector.shape_cast %get3A_182 : vector<1x16xi32> to vector<16xi32>
    %mul3A_184 = arith.constant 4 : i32
    %mul3A_185 = vector.broadcast %mul3A_184 : i32 to vector<16xi32>
    %mul3A_186 = arith.muli %get3A_183, %mul3A_185 : vector<16xi32>
    %swap3A_187 = arith.constant 0 : i32
    %swap3A_188 = arith.index_cast %swap3A_187 : i32 to index
    %swap3A_189 = arith.constant 32 : index
    %swap3A_190 = tpu.vector_load %arg8[%swap3A_188, %swap3A_189] {strides = array<i32>} : memref<4x128xi32, #tpu.memory_space<vmem>>, vector<1x16xi32>,
    %swap3A_191 = vector.shape_cast %swap3A_190 : vector<1x16xi32> to vector<16xi32>
    %swap3A_192 = vector.shape_cast %mul3A_186 : vector<16xi32> to vector<1x16xi32>
    tpu.vector_store %arg8[%swap3A_188, %swap3A_189], %swap3A_192 {strides = array<i32>} : memref<4x128xi32, #tpu.memory_space<vmem>>, vector<1x16xi32>,
    %get3A_193 = arith.constant 0 : i32
    %get3A_194 = arith.index_cast %get3A_193 : i32 to index
    %get3A_195 = arith.constant 48 : index
    %get3A_196 = tpu.vector_load %arg8[%get3A_194, %get3A_195] {strides = array<i32>} : memref<4x128xi32, #tpu.memory_space<vmem>>, vector<1x16xi32>,
    %get3A_197 = vector.shape_cast %get3A_196 : vector<1x16xi32> to vector<16xi32>
    %mul3A_198 = arith.constant 4 : i32
    %mul3A_199 = vector.broadcast %mul3A_198 : i32 to vector<16xi32>
    %mul3A_200 = arith.muli %get3A_197, %mul3A_199 : vector<16xi32>
    %swap3A_201 = arith.constant 0 : i32
    %swap3A_202 = arith.index_cast %swap3A_201 : i32 to index
    %swap3A_203 = arith.constant 48 : index
    %swap3A_204 = tpu.vector_load %arg8[%swap3A_202, %swap3A_203] {strides = array<i32>} : memref<4x128xi32, #tpu.memory_space<vmem>>, vector<1x16xi32>,
    %swap3A_205 = vector.shape_cast %swap3A_204 : vector<1x16xi32> to vector<16xi32>
    %swap3A_206 = vector.shape_cast %mul3A_200 : vector<16xi32> to vector<1x16xi32>
    tpu.vector_store %arg8[%swap3A_202, %swap3A_203], %swap3A_206 {strides = array<i32>} : memref<4x128xi32, #tpu.memory_space<vmem>>, vector<1x16xi32>,
    %get3A_207 = arith.constant 0 : i32
    %get3A_208 = arith.index_cast %get3A_207 : i32 to index
    %get3A_209 = arith.constant 64 : index
    %get3A_210 = tpu.vector_load %arg8[%get3A_208, %get3A_209] {strides = array<i32>} : memref<4x128xi32, #tpu.memory_space<vmem>>, vector<1x16xi32>,
    %get3A_211 = vector.shape_cast %get3A_210 : vector<1x16xi32> to vector<16xi32>
    %mul3A_212 = arith.constant 4 : i32
    %mul3A_213 = vector.broadcast %mul3A_212 : i32 to vector<16xi32>
    %mul3A_214 = arith.muli %get3A_211, %mul3A_213 : vector<16xi32>
    %swap3A_215 = arith.constant 0 : i32
    %swap3A_216 = arith.index_cast %swap3A_215 : i32 to index
    %swap3A_217 = arith.constant 64 : index
    %swap3A_218 = tpu.vector_load %arg8[%swap3A_216, %swap3A_217] {strides = array<i32>} : memref<4x128xi32, #tpu.memory_space<vmem>>, vector<1x16xi32>,
    %swap3A_219 = vector.shape_cast %swap3A_218 : vector<1x16xi32> to vector<16xi32>
    %swap3A_220 = vector.shape_cast %mul3A_214 : vector<16xi32> to vector<1x16xi32>
    tpu.vector_store %arg8[%swap3A_216, %swap3A_217], %swap3A_220 {strides = array<i32>} : memref<4x128xi32, #tpu.memory_space<vmem>>, vector<1x16xi32>,
    %get3A_221 = arith.constant 0 : i32
    %get3A_222 = arith.index_cast %get3A_221 : i32 to index
    %get3A_223 = arith.constant 80 : index
    %get3A_224 = tpu.vector_load %arg8[%get3A_222, %get3A_223] {strides = array<i32>} : memref<4x128xi32, #tpu.memory_space<vmem>>, vector<1x16xi32>,
    %get3A_225 = vector.shape_cast %get3A_224 : vector<1x16xi32> to vector<16xi32>
    %mul3A_226 = arith.constant 4 : i32
    %mul3A_227 = vector.broadcast %mul3A_226 : i32 to vector<16xi32>
    %mul3A_228 = arith.muli %get3A_225, %mul3A_227 : vector<16xi32>
    %swap3A_229 = arith.constant 0 : i32
    %swap3A_230 = arith.index_cast %swap3A_229 : i32 to index
    %swap3A_231 = arith.constant 80 : index
    %swap3A_232 = tpu.vector_load %arg8[%swap3A_230, %swap3A_231] {strides = array<i32>} : memref<4x128xi32, #tpu.memory_space<vmem>>, vector<1x16xi32>,
    %swap3A_233 = vector.shape_cast %swap3A_232 : vector<1x16xi32> to vector<16xi32>
    %swap3A_234 = vector.shape_cast %mul3A_228 : vector<16xi32> to vector<1x16xi32>
    tpu.vector_store %arg8[%swap3A_230, %swap3A_231], %swap3A_234 {strides = array<i32>} : memref<4x128xi32, #tpu.memory_space<vmem>>, vector<1x16xi32>,
    %get3A_235 = arith.constant 0 : i32
    %get3A_236 = arith.index_cast %get3A_235 : i32 to index
    %get3A_237 = arith.constant 96 : index
    %get3A_238 = tpu.vector_load %arg8[%get3A_236, %get3A_237] {strides = array<i32>} : memref<4x128xi32, #tpu.memory_space<vmem>>, vector<1x16xi32>,
    %get3A_239 = vector.shape_cast %get3A_238 : vector<1x16xi32> to vector<16xi32>
    %mul3A_240 = arith.constant 4 : i32
    %mul3A_241 = vector.broadcast %mul3A_240 : i32 to vector<16xi32>
    %mul3A_242 = arith.muli %get3A_239, %mul3A_241 : vector<16xi32>
    %swap3A_243 = arith.constant 0 : i32
    %swap3A_244 = arith.index_cast %swap3A_243 : i32 to index
    %swap3A_245 = arith.constant 96 : index
    %swap3A_246 = tpu.vector_load %arg8[%swap3A_244, %swap3A_245] {strides = array<i32>} : memref<4x128xi32, #tpu.memory_space<vmem>>, vector<1x16xi32>,
    %swap3A_247 = vector.shape_cast %swap3A_246 : vector<1x16xi32> to vector<16xi32>
    %swap3A_248 = vector.shape_cast %mul3A_242 : vector<16xi32> to vector<1x16xi32>
    tpu.vector_store %arg8[%swap3A_244, %swap3A_245], %swap3A_248 {strides = array<i32>} : memref<4x128xi32, #tpu.memory_space<vmem>>, vector<1x16xi32>,
    %get3A_249 = arith.constant 0 : i32
    %get3A_250 = arith.index_cast %get3A_249 : i32 to index
    %get3A_251 = arith.constant 112 : index
    %get3A_252 = tpu.vector_load %arg8[%get3A_250, %get3A_251] {strides = array<i32>} : memref<4x128xi32, #tpu.memory_space<vmem>>, vector<1x16xi32>,
    %get3A_253 = vector.shape_cast %get3A_252 : vector<1x16xi32> to vector<16xi32>
    %mul3A_254 = arith.constant 4 : i32
    %mul3A_255 = vector.broadcast %mul3A_254 : i32 to vector<16xi32>
    %mul3A_256 = arith.muli %get3A_253, %mul3A_255 : vector<16xi32>
    %swap3A_257 = arith.constant 0 : i32
    %swap3A_258 = arith.index_cast %swap3A_257 : i32 to index
    %swap3A_259 = arith.constant 112 : index
    %swap3A_260 = tpu.vector_load %arg8[%swap3A_258, %swap3A_259] {strides = array<i32>} : memref<4x128xi32, #tpu.memory_space<vmem>>, vector<1x16xi32>,
    %swap3A_261 = vector.shape_cast %swap3A_260 : vector<1x16xi32> to vector<16xi32>
    %swap3A_262 = vector.shape_cast %mul3A_256 : vector<16xi32> to vector<1x16xi32>
    tpu.vector_store %arg8[%swap3A_258, %swap3A_259], %swap3A_262 {strides = array<i32>} : memref<4x128xi32, #tpu.memory_space<vmem>>, vector<1x16xi32>,
    %get3A_263 = arith.constant 1 : i32
    %get3A_264 = arith.index_cast %get3A_263 : i32 to index
    %get3A_265 = arith.constant 0 : index
    %get3A_266 = tpu.vector_load %arg8[%get3A_264, %get3A_265] {strides = array<i32>} : memref<4x128xi32, #tpu.memory_space<vmem>>, vector<1x16xi32>,
    %get3A_267 = vector.shape_cast %get3A_266 : vector<1x16xi32> to vector<16xi32>
    %mul3A_268 = arith.constant 4 : i32
    %mul3A_269 = vector.broadcast %mul3A_268 : i32 to vector<16xi32>
    %mul3A_270 = arith.muli %get3A_267, %mul3A_269 : vector<16xi32>
    %swap3A_271 = arith.constant 1 : i32
    %swap3A_272 = arith.index_cast %swap3A_271 : i32 to index
    %swap3A_273 = arith.constant 0 : index
    %swap3A_274 = tpu.vector_load %arg8[%swap3A_272, %swap3A_273] {strides = array<i32>} : memref<4x128xi32, #tpu.memory_space<vmem>>, vector<1x16xi32>,
    %swap3A_275 = vector.shape_cast %swap3A_274 : vector<1x16xi32> to vector<16xi32>
    %swap3A_276 = vector.shape_cast %mul3A_270 : vector<16xi32> to vector<1x16xi32>
    tpu.vector_store %arg8[%swap3A_272, %swap3A_273], %swap3A_276 {strides = array<i32>} : memref<4x128xi32, #tpu.memory_space<vmem>>, vector<1x16xi32>,
    %get3A_277 = arith.constant 1 : i32
    %get3A_278 = arith.index_cast %get3A_277 : i32 to index
    %get3A_279 = arith.constant 16 : index
    %get3A_280 = tpu.vector_load %arg8[%get3A_278, %get3A_279] {strides = array<i32>} : memref<4x128xi32, #tpu.memory_space<vmem>>, vector<1x16xi32>,
    %get3A_281 = vector.shape_cast %get3A_280 : vector<1x16xi32> to vector<16xi32>
    %mul3A_282 = arith.constant 4 : i32
    %mul3A_283 = vector.broadcast %mul3A_282 : i32 to vector<16xi32>
    %mul3A_284 = arith.muli %get3A_281, %mul3A_283 : vector<16xi32>
    %swap3A_285 = arith.constant 1 : i32
    %swap3A_286 = arith.index_cast %swap3A_285 : i32 to index
    %swap3A_287 = arith.constant 16 : index
    %swap3A_288 = tpu.vector_load %arg8[%swap3A_286, %swap3A_287] {strides = array<i32>} : memref<4x128xi32, #tpu.memory_space<vmem>>, vector<1x16xi32>,
    %swap3A_289 = vector.shape_cast %swap3A_288 : vector<1x16xi32> to vector<16xi32>
    %swap3A_290 = vector.shape_cast %mul3A_284 : vector<16xi32> to vector<1x16xi32>
    tpu.vector_store %arg8[%swap3A_286, %swap3A_287], %swap3A_290 {strides = array<i32>} : memref<4x128xi32, #tpu.memory_space<vmem>>, vector<1x16xi32>,
    %get3A_291 = arith.constant 1 : i32
    %get3A_292 = arith.index_cast %get3A_291 : i32 to index
    %get3A_293 = arith.constant 32 : index
    %get3A_294 = tpu.vector_load %arg8[%get3A_292, %get3A_293] {strides = array<i32>} : memref<4x128xi32, #tpu.memory_space<vmem>>, vector<1x16xi32>,
    %get3A_295 = vector.shape_cast %get3A_294 : vector<1x16xi32> to vector<16xi32>
    %mul3A_296 = arith.constant 4 : i32
    %mul3A_297 = vector.broadcast %mul3A_296 : i32 to vector<16xi32>
    %mul3A_298 = arith.muli %get3A_295, %mul3A_297 : vector<16xi32>
    %swap3A_299 = arith.constant 1 : i32
    %swap3A_300 = arith.index_cast %swap3A_299 : i32 to index
    %swap3A_301 = arith.constant 32 : index
    %swap3A_302 = tpu.vector_load %arg8[%swap3A_300, %swap3A_301] {strides = array<i32>} : memref<4x128xi32, #tpu.memory_space<vmem>>, vector<1x16xi32>,
    %swap3A_303 = vector.shape_cast %swap3A_302 : vector<1x16xi32> to vector<16xi32>
    %swap3A_304 = vector.shape_cast %mul3A_298 : vector<16xi32> to vector<1x16xi32>
    tpu.vector_store %arg8[%swap3A_300, %swap3A_301], %swap3A_304 {strides = array<i32>} : memref<4x128xi32, #tpu.memory_space<vmem>>, vector<1x16xi32>,
    %get3A_305 = arith.constant 1 : i32
    %get3A_306 = arith.index_cast %get3A_305 : i32 to index
    %get3A_307 = arith.constant 48 : index
    %get3A_308 = tpu.vector_load %arg8[%get3A_306, %get3A_307] {strides = array<i32>} : memref<4x128xi32, #tpu.memory_space<vmem>>, vector<1x16xi32>,
    %get3A_309 = vector.shape_cast %get3A_308 : vector<1x16xi32> to vector<16xi32>
    %mul3A_310 = arith.constant 4 : i32
    %mul3A_311 = vector.broadcast %mul3A_310 : i32 to vector<16xi32>
    %mul3A_312 = arith.muli %get3A_309, %mul3A_311 : vector<16xi32>
    %swap3A_313 = arith.constant 1 : i32
    %swap3A_314 = arith.index_cast %swap3A_313 : i32 to index
    %swap3A_315 = arith.constant 48 : index
    %swap3A_316 = tpu.vector_load %arg8[%swap3A_314, %swap3A_315] {strides = array<i32>} : memref<4x128xi32, #tpu.memory_space<vmem>>, vector<1x16xi32>,
    %swap3A_317 = vector.shape_cast %swap3A_316 : vector<1x16xi32> to vector<16xi32>
    %swap3A_318 = vector.shape_cast %mul3A_312 : vector<16xi32> to vector<1x16xi32>
    tpu.vector_store %arg8[%swap3A_314, %swap3A_315], %swap3A_318 {strides = array<i32>} : memref<4x128xi32, #tpu.memory_space<vmem>>, vector<1x16xi32>,
    %get3A_319 = arith.constant 1 : i32
    %get3A_320 = arith.index_cast %get3A_319 : i32 to index
    %get3A_321 = arith.constant 64 : index
    %get3A_322 = tpu.vector_load %arg8[%get3A_320, %get3A_321] {strides = array<i32>} : memref<4x128xi32, #tpu.memory_space<vmem>>, vector<1x16xi32>,
    %get3A_323 = vector.shape_cast %get3A_322 : vector<1x16xi32> to vector<16xi32>
    %mul3A_324 = arith.constant 4 : i32
    %mul3A_325 = vector.broadcast %mul3A_324 : i32 to vector<16xi32>
    %mul3A_326 = arith.muli %get3A_323, %mul3A_325 : vector<16xi32>
    %swap3A_327 = arith.constant 1 : i32
    %swap3A_328 = arith.index_cast %swap3A_327 : i32 to index
    %swap3A_329 = arith.constant 64 : index
    %swap3A_330 = tpu.vector_load %arg8[%swap3A_328, %swap3A_329] {strides = array<i32>} : memref<4x128xi32, #tpu.memory_space<vmem>>, vector<1x16xi32>,
    %swap3A_331 = vector.shape_cast %swap3A_330 : vector<1x16xi32> to vector<16xi32>
    %swap3A_332 = vector.shape_cast %mul3A_326 : vector<16xi32> to vector<1x16xi32>
    tpu.vector_store %arg8[%swap3A_328, %swap3A_329], %swap3A_332 {strides = array<i32>} : memref<4x128xi32, #tpu.memory_space<vmem>>, vector<1x16xi32>,
    %get3A_333 = arith.constant 1 : i32
    %get3A_334 = arith.index_cast %get3A_333 : i32 to index
    %get3A_335 = arith.constant 80 : index
    %get3A_336 = tpu.vector_load %arg8[%get3A_334, %get3A_335] {strides = array<i32>} : memref<4x128xi32, #tpu.memory_space<vmem>>, vector<1x16xi32>,
    %get3A_337 = vector.shape_cast %get3A_336 : vector<1x16xi32> to vector<16xi32>
    %mul3A_338 = arith.constant 4 : i32
    %mul3A_339 = vector.broadcast %mul3A_338 : i32 to vector<16xi32>
    %mul3A_340 = arith.muli %get3A_337, %mul3A_339 : vector<16xi32>
    %swap3A_341 = arith.constant 1 : i32
    %swap3A_342 = arith.index_cast %swap3A_341 : i32 to index
    %swap3A_343 = arith.constant 80 : index
    %swap3A_344 = tpu.vector_load %arg8[%swap3A_342, %swap3A_343] {strides = array<i32>} : memref<4x128xi32, #tpu.memory_space<vmem>>, vector<1x16xi32>,
    %swap3A_345 = vector.shape_cast %swap3A_344 : vector<1x16xi32> to vector<16xi32>
    %swap3A_346 = vector.shape_cast %mul3A_340 : vector<16xi32> to vector<1x16xi32>
    tpu.vector_store %arg8[%swap3A_342, %swap3A_343], %swap3A_346 {strides = array<i32>} : memref<4x128xi32, #tpu.memory_space<vmem>>, vector<1x16xi32>,
    %get3A_347 = arith.constant 1 : i32
    %get3A_348 = arith.index_cast %get3A_347 : i32 to index
    %get3A_349 = arith.constant 96 : index
    %get3A_350 = tpu.vector_load %arg8[%get3A_348, %get3A_349] {strides = array<i32>} : memref<4x128xi32, #tpu.memory_space<vmem>>, vector<1x16xi32>,
    %get3A_351 = vector.shape_cast %get3A_350 : vector<1x16xi32> to vector<16xi32>
    %mul3A_352 = arith.constant 4 : i32
    %mul3A_353 = vector.broadcast %mul3A_352 : i32 to vector<16xi32>
    %mul3A_354 = arith.muli %get3A_351, %mul3A_353 : vector<16xi32>
    %swap3A_355 = arith.constant 1 : i32
    %swap3A_356 = arith.index_cast %swap3A_355 : i32 to index
    %swap3A_357 = arith.constant 96 : index
    %swap3A_358 = tpu.vector_load %arg8[%swap3A_356, %swap3A_357] {strides = array<i32>} : memref<4x128xi32, #tpu.memory_space<vmem>>, vector<1x16xi32>,
    %swap3A_359 = vector.shape_cast %swap3A_358 : vector<1x16xi32> to vector<16xi32>
    %swap3A_360 = vector.shape_cast %mul3A_354 : vector<16xi32> to vector<1x16xi32>
    tpu.vector_store %arg8[%swap3A_356, %swap3A_357], %swap3A_360 {strides = array<i32>} : memref<4x128xi32, #tpu.memory_space<vmem>>, vector<1x16xi32>,
    %get3A_361 = arith.constant 1 : i32
    %get3A_362 = arith.index_cast %get3A_361 : i32 to index
    %get3A_363 = arith.constant 112 : index
    %get3A_364 = tpu.vector_load %arg8[%get3A_362, %get3A_363] {strides = array<i32>} : memref<4x128xi32, #tpu.memory_space<vmem>>, vector<1x16xi32>,
    %get3A_365 = vector.shape_cast %get3A_364 : vector<1x16xi32> to vector<16xi32>
    %mul3A_366 = arith.constant 4 : i32
    %mul3A_367 = vector.broadcast %mul3A_366 : i32 to vector<16xi32>
    %mul3A_368 = arith.muli %get3A_365, %mul3A_367 : vector<16xi32>
    %swap3A_369 = arith.constant 1 : i32
    %swap3A_370 = arith.index_cast %swap3A_369 : i32 to index
    %swap3A_371 = arith.constant 112 : index
    %swap3A_372 = tpu.vector_load %arg8[%swap3A_370, %swap3A_371] {strides = array<i32>} : memref<4x128xi32, #tpu.memory_space<vmem>>, vector<1x16xi32>,
    %swap3A_373 = vector.shape_cast %swap3A_372 : vector<1x16xi32> to vector<16xi32>
    %swap3A_374 = vector.shape_cast %mul3A_368 : vector<16xi32> to vector<1x16xi32>
    tpu.vector_store %arg8[%swap3A_370, %swap3A_371], %swap3A_374 {strides = array<i32>} : memref<4x128xi32, #tpu.memory_space<vmem>>, vector<1x16xi32>,
    %get3A_375 = arith.constant 2 : i32
    %get3A_376 = arith.index_cast %get3A_375 : i32 to index
    %get3A_377 = arith.constant 0 : index
    %get3A_378 = tpu.vector_load %arg8[%get3A_376, %get3A_377] {strides = array<i32>} : memref<4x128xi32, #tpu.memory_space<vmem>>, vector<1x16xi32>,
    %get3A_379 = vector.shape_cast %get3A_378 : vector<1x16xi32> to vector<16xi32>
    %mul3A_380 = arith.constant 4 : i32
    %mul3A_381 = vector.broadcast %mul3A_380 : i32 to vector<16xi32>
    %mul3A_382 = arith.muli %get3A_379, %mul3A_381 : vector<16xi32>
    %swap3A_383 = arith.constant 2 : i32
    %swap3A_384 = arith.index_cast %swap3A_383 : i32 to index
    %swap3A_385 = arith.constant 0 : index
    %swap3A_386 = tpu.vector_load %arg8[%swap3A_384, %swap3A_385] {strides = array<i32>} : memref<4x128xi32, #tpu.memory_space<vmem>>, vector<1x16xi32>,
    %swap3A_387 = vector.shape_cast %swap3A_386 : vector<1x16xi32> to vector<16xi32>
    %swap3A_388 = vector.shape_cast %mul3A_382 : vector<16xi32> to vector<1x16xi32>
    tpu.vector_store %arg8[%swap3A_384, %swap3A_385], %swap3A_388 {strides = array<i32>} : memref<4x128xi32, #tpu.memory_space<vmem>>, vector<1x16xi32>,
    %get3A_389 = arith.constant 2 : i32
    %get3A_390 = arith.index_cast %get3A_389 : i32 to index
    %get3A_391 = arith.constant 16 : index
    %get3A_392 = tpu.vector_load %arg8[%get3A_390, %get3A_391] {strides = array<i32>} : memref<4x128xi32, #tpu.memory_space<vmem>>, vector<1x16xi32>,
    %get3A_393 = vector.shape_cast %get3A_392 : vector<1x16xi32> to vector<16xi32>
    %mul3A_394 = arith.constant 4 : i32
    %mul3A_395 = vector.broadcast %mul3A_394 : i32 to vector<16xi32>
    %mul3A_396 = arith.muli %get3A_393, %mul3A_395 : vector<16xi32>
    %swap3A_397 = arith.constant 2 : i32
    %swap3A_398 = arith.index_cast %swap3A_397 : i32 to index
    %swap3A_399 = arith.constant 16 : index
    %swap3A_400 = tpu.vector_load %arg8[%swap3A_398, %swap3A_399] {strides = array<i32>} : memref<4x128xi32, #tpu.memory_space<vmem>>, vector<1x16xi32>,
    %swap3A_401 = vector.shape_cast %swap3A_400 : vector<1x16xi32> to vector<16xi32>
    %swap3A_402 = vector.shape_cast %mul3A_396 : vector<16xi32> to vector<1x16xi32>
    tpu.vector_store %arg8[%swap3A_398, %swap3A_399], %swap3A_402 {strides = array<i32>} : memref<4x128xi32, #tpu.memory_space<vmem>>, vector<1x16xi32>,
    %get3A_403 = arith.constant 2 : i32
    %get3A_404 = arith.index_cast %get3A_403 : i32 to index
    %get3A_405 = arith.constant 32 : index
    %get3A_406 = tpu.vector_load %arg8[%get3A_404, %get3A_405] {strides = array<i32>} : memref<4x128xi32, #tpu.memory_space<vmem>>, vector<1x16xi32>,
    %get3A_407 = vector.shape_cast %get3A_406 : vector<1x16xi32> to vector<16xi32>
    %mul3A_408 = arith.constant 4 : i32
    %mul3A_409 = vector.broadcast %mul3A_408 : i32 to vector<16xi32>
    %mul3A_410 = arith.muli %get3A_407, %mul3A_409 : vector<16xi32>
    %swap3A_411 = arith.constant 2 : i32
    %swap3A_412 = arith.index_cast %swap3A_411 : i32 to index
    %swap3A_413 = arith.constant 32 : index
    %swap3A_414 = tpu.vector_load %arg8[%swap3A_412, %swap3A_413] {strides = array<i32>} : memref<4x128xi32, #tpu.memory_space<vmem>>, vector<1x16xi32>,
    %swap3A_415 = vector.shape_cast %swap3A_414 : vector<1x16xi32> to vector<16xi32>
    %swap3A_416 = vector.shape_cast %mul3A_410 : vector<16xi32> to vector<1x16xi32>
    tpu.vector_store %arg8[%swap3A_412, %swap3A_413], %swap3A_416 {strides = array<i32>} : memref<4x128xi32, #tpu.memory_space<vmem>>, vector<1x16xi32>,
    %get3A_417 = arith.constant 2 : i32
    %get3A_418 = arith.index_cast %get3A_417 : i32 to index
    %get3A_419 = arith.constant 48 : index
    %get3A_420 = tpu.vector_load %arg8[%get3A_418, %get3A_419] {strides = array<i32>} : memref<4x128xi32, #tpu.memory_space<vmem>>, vector<1x16xi32>,
    %get3A_421 = vector.shape_cast %get3A_420 : vector<1x16xi32> to vector<16xi32>
    %mul3A_422 = arith.constant 4 : i32
    %mul3A_423 = vector.broadcast %mul3A_422 : i32 to vector<16xi32>
    %mul3A_424 = arith.muli %get3A_421, %mul3A_423 : vector<16xi32>
    %swap3A_425 = arith.constant 2 : i32
    %swap3A_426 = arith.index_cast %swap3A_425 : i32 to index
    %swap3A_427 = arith.constant 48 : index
    %swap3A_428 = tpu.vector_load %arg8[%swap3A_426, %swap3A_427] {strides = array<i32>} : memref<4x128xi32, #tpu.memory_space<vmem>>, vector<1x16xi32>,
    %swap3A_429 = vector.shape_cast %swap3A_428 : vector<1x16xi32> to vector<16xi32>
    %swap3A_430 = vector.shape_cast %mul3A_424 : vector<16xi32> to vector<1x16xi32>
    tpu.vector_store %arg8[%swap3A_426, %swap3A_427], %swap3A_430 {strides = array<i32>} : memref<4x128xi32, #tpu.memory_space<vmem>>, vector<1x16xi32>,
    %get3A_431 = arith.constant 2 : i32
    %get3A_432 = arith.index_cast %get3A_431 : i32 to index
    %get3A_433 = arith.constant 64 : index
    %get3A_434 = tpu.vector_load %arg8[%get3A_432, %get3A_433] {strides = array<i32>} : memref<4x128xi32, #tpu.memory_space<vmem>>, vector<1x16xi32>,
    %get3A_435 = vector.shape_cast %get3A_434 : vector<1x16xi32> to vector<16xi32>
    %mul3A_436 = arith.constant 4 : i32
    %mul3A_437 = vector.broadcast %mul3A_436 : i32 to vector<16xi32>
    %mul3A_438 = arith.muli %get3A_435, %mul3A_437 : vector<16xi32>
    %swap3A_439 = arith.constant 2 : i32
    %swap3A_440 = arith.index_cast %swap3A_439 : i32 to index
    %swap3A_441 = arith.constant 64 : index
    %swap3A_442 = tpu.vector_load %arg8[%swap3A_440, %swap3A_441] {strides = array<i32>} : memref<4x128xi32, #tpu.memory_space<vmem>>, vector<1x16xi32>,
    %swap3A_443 = vector.shape_cast %swap3A_442 : vector<1x16xi32> to vector<16xi32>
    %swap3A_444 = vector.shape_cast %mul3A_438 : vector<16xi32> to vector<1x16xi32>
    tpu.vector_store %arg8[%swap3A_440, %swap3A_441], %swap3A_444 {strides = array<i32>} : memref<4x128xi32, #tpu.memory_space<vmem>>, vector<1x16xi32>,
    %get3A_445 = arith.constant 2 : i32
    %get3A_446 = arith.index_cast %get3A_445 : i32 to index
    %get3A_447 = arith.constant 80 : index
    %get3A_448 = tpu.vector_load %arg8[%get3A_446, %get3A_447] {strides = array<i32>} : memref<4x128xi32, #tpu.memory_space<vmem>>, vector<1x16xi32>,
    %get3A_449 = vector.shape_cast %get3A_448 : vector<1x16xi32> to vector<16xi32>
    %mul3A_450 = arith.constant 4 : i32
    %mul3A_451 = vector.broadcast %mul3A_450 : i32 to vector<16xi32>
    %mul3A_452 = arith.muli %get3A_449, %mul3A_451 : vector<16xi32>
    %swap3A_453 = arith.constant 2 : i32
    %swap3A_454 = arith.index_cast %swap3A_453 : i32 to index
    %swap3A_455 = arith.constant 80 : index
    %swap3A_456 = tpu.vector_load %arg8[%swap3A_454, %swap3A_455] {strides = array<i32>} : memref<4x128xi32, #tpu.memory_space<vmem>>, vector<1x16xi32>,
    %swap3A_457 = vector.shape_cast %swap3A_456 : vector<1x16xi32> to vector<16xi32>
    %swap3A_458 = vector.shape_cast %mul3A_452 : vector<16xi32> to vector<1x16xi32>
    tpu.vector_store %arg8[%swap3A_454, %swap3A_455], %swap3A_458 {strides = array<i32>} : memref<4x128xi32, #tpu.memory_space<vmem>>, vector<1x16xi32>,
    %get3A_459 = arith.constant 2 : i32
    %get3A_460 = arith.index_cast %get3A_459 : i32 to index
    %get3A_461 = arith.constant 96 : index
    %get3A_462 = tpu.vector_load %arg8[%get3A_460, %get3A_461] {strides = array<i32>} : memref<4x128xi32, #tpu.memory_space<vmem>>, vector<1x16xi32>,
    %get3A_463 = vector.shape_cast %get3A_462 : vector<1x16xi32> to vector<16xi32>
    %mul3A_464 = arith.constant 4 : i32
    %mul3A_465 = vector.broadcast %mul3A_464 : i32 to vector<16xi32>
    %mul3A_466 = arith.muli %get3A_463, %mul3A_465 : vector<16xi32>
    %swap3A_467 = arith.constant 2 : i32
    %swap3A_468 = arith.index_cast %swap3A_467 : i32 to index
    %swap3A_469 = arith.constant 96 : index
    %swap3A_470 = tpu.vector_load %arg8[%swap3A_468, %swap3A_469] {strides = array<i32>} : memref<4x128xi32, #tpu.memory_space<vmem>>, vector<1x16xi32>,
    %swap3A_471 = vector.shape_cast %swap3A_470 : vector<1x16xi32> to vector<16xi32>
    %swap3A_472 = vector.shape_cast %mul3A_466 : vector<16xi32> to vector<1x16xi32>
    tpu.vector_store %arg8[%swap3A_468, %swap3A_469], %swap3A_472 {strides = array<i32>} : memref<4x128xi32, #tpu.memory_space<vmem>>, vector<1x16xi32>,
    %get3A_473 = arith.constant 2 : i32
    %get3A_474 = arith.index_cast %get3A_473 : i32 to index
    %get3A_475 = arith.constant 112 : index
    %get3A_476 = tpu.vector_load %arg8[%get3A_474, %get3A_475] {strides = array<i32>} : memref<4x128xi32, #tpu.memory_space<vmem>>, vector<1x16xi32>,
    %get3A_477 = vector.shape_cast %get3A_476 : vector<1x16xi32> to vector<16xi32>
    %mul3A_478 = arith.constant 4 : i32
    %mul3A_479 = vector.broadcast %mul3A_478 : i32 to vector<16xi32>
    %mul3A_480 = arith.muli %get3A_477, %mul3A_479 : vector<16xi32>
    %swap3A_481 = arith.constant 2 : i32
    %swap3A_482 = arith.index_cast %swap3A_481 : i32 to index
    %swap3A_483 = arith.constant 112 : index
    %swap3A_484 = tpu.vector_load %arg8[%swap3A_482, %swap3A_483] {strides = array<i32>} : memref<4x128xi32, #tpu.memory_space<vmem>>, vector<1x16xi32>,
    %swap3A_485 = vector.shape_cast %swap3A_484 : vector<1x16xi32> to vector<16xi32>
    %swap3A_486 = vector.shape_cast %mul3A_480 : vector<16xi32> to vector<1x16xi32>
    tpu.vector_store %arg8[%swap3A_482, %swap3A_483], %swap3A_486 {strides = array<i32>} : memref<4x128xi32, #tpu.memory_space<vmem>>, vector<1x16xi32>,
    %get3A_487 = arith.constant 3 : i32
    %get3A_488 = arith.index_cast %get3A_487 : i32 to index
    %get3A_489 = arith.constant 0 : index
    %get3A_490 = tpu.vector_load %arg8[%get3A_488, %get3A_489] {strides = array<i32>} : memref<4x128xi32, #tpu.memory_space<vmem>>, vector<1x16xi32>,
    %get3A_491 = vector.shape_cast %get3A_490 : vector<1x16xi32> to vector<16xi32>
    %mul3A_492 = arith.constant 4 : i32
    %mul3A_493 = vector.broadcast %mul3A_492 : i32 to vector<16xi32>
    %mul3A_494 = arith.muli %get3A_491, %mul3A_493 : vector<16xi32>
    %swap3A_495 = arith.constant 3 : i32
    %swap3A_496 = arith.index_cast %swap3A_495 : i32 to index
    %swap3A_497 = arith.constant 0 : index
    %swap3A_498 = tpu.vector_load %arg8[%swap3A_496, %swap3A_497] {strides = array<i32>} : memref<4x128xi32, #tpu.memory_space<vmem>>, vector<1x16xi32>,
    %swap3A_499 = vector.shape_cast %swap3A_498 : vector<1x16xi32> to vector<16xi32>
    %swap3A_500 = vector.shape_cast %mul3A_494 : vector<16xi32> to vector<1x16xi32>
    tpu.vector_store %arg8[%swap3A_496, %swap3A_497], %swap3A_500 {strides = array<i32>} : memref<4x128xi32, #tpu.memory_space<vmem>>, vector<1x16xi32>,
    %get3A_501 = arith.constant 3 : i32
    %get3A_502 = arith.index_cast %get3A_501 : i32 to index
    %get3A_503 = arith.constant 16 : index
    %get3A_504 = tpu.vector_load %arg8[%get3A_502, %get3A_503] {strides = array<i32>} : memref<4x128xi32, #tpu.memory_space<vmem>>, vector<1x16xi32>,
    %get3A_505 = vector.shape_cast %get3A_504 : vector<1x16xi32> to vector<16xi32>
    %mul3A_506 = arith.constant 4 : i32
    %mul3A_507 = vector.broadcast %mul3A_506 : i32 to vector<16xi32>
    %mul3A_508 = arith.muli %get3A_505, %mul3A_507 : vector<16xi32>
    %swap3A_509 = arith.constant 3 : i32
    %swap3A_510 = arith.index_cast %swap3A_509 : i32 to index
    %swap3A_511 = arith.constant 16 : index
    %swap3A_512 = tpu.vector_load %arg8[%swap3A_510, %swap3A_511] {strides = array<i32>} : memref<4x128xi32, #tpu.memory_space<vmem>>, vector<1x16xi32>,
    %swap3A_513 = vector.shape_cast %swap3A_512 : vector<1x16xi32> to vector<16xi32>
    %swap3A_514 = vector.shape_cast %mul3A_508 : vector<16xi32> to vector<1x16xi32>
    tpu.vector_store %arg8[%swap3A_510, %swap3A_511], %swap3A_514 {strides = array<i32>} : memref<4x128xi32, #tpu.memory_space<vmem>>, vector<1x16xi32>,
    %get3A_515 = arith.constant 3 : i32
    %get3A_516 = arith.index_cast %get3A_515 : i32 to index
    %get3A_517 = arith.constant 32 : index
    %get3A_518 = tpu.vector_load %arg8[%get3A_516, %get3A_517] {strides = array<i32>} : memref<4x128xi32, #tpu.memory_space<vmem>>, vector<1x16xi32>,
    %get3A_519 = vector.shape_cast %get3A_518 : vector<1x16xi32> to vector<16xi32>
    %mul3A_520 = arith.constant 4 : i32
    %mul3A_521 = vector.broadcast %mul3A_520 : i32 to vector<16xi32>
    %mul3A_522 = arith.muli %get3A_519, %mul3A_521 : vector<16xi32>
    %swap3A_523 = arith.constant 3 : i32
    %swap3A_524 = arith.index_cast %swap3A_523 : i32 to index
    %swap3A_525 = arith.constant 32 : index
    %swap3A_526 = tpu.vector_load %arg8[%swap3A_524, %swap3A_525] {strides = array<i32>} : memref<4x128xi32, #tpu.memory_space<vmem>>, vector<1x16xi32>,
    %swap3A_527 = vector.shape_cast %swap3A_526 : vector<1x16xi32> to vector<16xi32>
    %swap3A_528 = vector.shape_cast %mul3A_522 : vector<16xi32> to vector<1x16xi32>
    tpu.vector_store %arg8[%swap3A_524, %swap3A_525], %swap3A_528 {strides = array<i32>} : memref<4x128xi32, #tpu.memory_space<vmem>>, vector<1x16xi32>,
    %get3A_529 = arith.constant 3 : i32
    %get3A_530 = arith.index_cast %get3A_529 : i32 to index
    %get3A_531 = arith.constant 48 : index
    %get3A_532 = tpu.vector_load %arg8[%get3A_530, %get3A_531] {strides = array<i32>} : memref<4x128xi32, #tpu.memory_space<vmem>>, vector<1x16xi32>,
    %get3A_533 = vector.shape_cast %get3A_532 : vector<1x16xi32> to vector<16xi32>
    %mul3A_534 = arith.constant 4 : i32
    %mul3A_535 = vector.broadcast %mul3A_534 : i32 to vector<16xi32>
    %mul3A_536 = arith.muli %get3A_533, %mul3A_535 : vector<16xi32>
    %swap3A_537 = arith.constant 3 : i32
    %swap3A_538 = arith.index_cast %swap3A_537 : i32 to index
    %swap3A_539 = arith.constant 48 : index
    %swap3A_540 = tpu.vector_load %arg8[%swap3A_538, %swap3A_539] {strides = array<i32>} : memref<4x128xi32, #tpu.memory_space<vmem>>, vector<1x16xi32>,
    %swap3A_541 = vector.shape_cast %swap3A_540 : vector<1x16xi32> to vector<16xi32>
    %swap3A_542 = vector.shape_cast %mul3A_536 : vector<16xi32> to vector<1x16xi32>
    tpu.vector_store %arg8[%swap3A_538, %swap3A_539], %swap3A_542 {strides = array<i32>} : memref<4x128xi32, #tpu.memory_space<vmem>>, vector<1x16xi32>,
    %get3A_543 = arith.constant 3 : i32
    %get3A_544 = arith.index_cast %get3A_543 : i32 to index
    %get3A_545 = arith.constant 64 : index
    %get3A_546 = tpu.vector_load %arg8[%get3A_544, %get3A_545] {strides = array<i32>} : memref<4x128xi32, #tpu.memory_space<vmem>>, vector<1x16xi32>,
    %get3A_547 = vector.shape_cast %get3A_546 : vector<1x16xi32> to vector<16xi32>
    %mul3A_548 = arith.constant 4 : i32
    %mul3A_549 = vector.broadcast %mul3A_548 : i32 to vector<16xi32>
    %mul3A_550 = arith.muli %get3A_547, %mul3A_549 : vector<16xi32>
    %swap3A_551 = arith.constant 3 : i32
    %swap3A_552 = arith.index_cast %swap3A_551 : i32 to index
    %swap3A_553 = arith.constant 64 : index
    %swap3A_554 = tpu.vector_load %arg8[%swap3A_552, %swap3A_553] {strides = array<i32>} : memref<4x128xi32, #tpu.memory_space<vmem>>, vector<1x16xi32>,
    %swap3A_555 = vector.shape_cast %swap3A_554 : vector<1x16xi32> to vector<16xi32>
    %swap3A_556 = vector.shape_cast %mul3A_550 : vector<16xi32> to vector<1x16xi32>
    tpu.vector_store %arg8[%swap3A_552, %swap3A_553], %swap3A_556 {strides = array<i32>} : memref<4x128xi32, #tpu.memory_space<vmem>>, vector<1x16xi32>,
    %get3A_557 = arith.constant 3 : i32
    %get3A_558 = arith.index_cast %get3A_557 : i32 to index
    %get3A_559 = arith.constant 80 : index
    %get3A_560 = tpu.vector_load %arg8[%get3A_558, %get3A_559] {strides = array<i32>} : memref<4x128xi32, #tpu.memory_space<vmem>>, vector<1x16xi32>,
    %get3A_561 = vector.shape_cast %get3A_560 : vector<1x16xi32> to vector<16xi32>
    %mul3A_562 = arith.constant 4 : i32
    %mul3A_563 = vector.broadcast %mul3A_562 : i32 to vector<16xi32>
    %mul3A_564 = arith.muli %get3A_561, %mul3A_563 : vector<16xi32>
    %swap3A_565 = arith.constant 3 : i32
    %swap3A_566 = arith.index_cast %swap3A_565 : i32 to index
    %swap3A_567 = arith.constant 80 : index
    %swap3A_568 = tpu.vector_load %arg8[%swap3A_566, %swap3A_567] {strides = array<i32>} : memref<4x128xi32, #tpu.memory_space<vmem>>, vector<1x16xi32>,
    %swap3A_569 = vector.shape_cast %swap3A_568 : vector<1x16xi32> to vector<16xi32>
    %swap3A_570 = vector.shape_cast %mul3A_564 : vector<16xi32> to vector<1x16xi32>
    tpu.vector_store %arg8[%swap3A_566, %swap3A_567], %swap3A_570 {strides = array<i32>} : memref<4x128xi32, #tpu.memory_space<vmem>>, vector<1x16xi32>,
    %get3A_571 = arith.constant 3 : i32
    %get3A_572 = arith.index_cast %get3A_571 : i32 to index
    %get3A_573 = arith.constant 96 : index
    %get3A_574 = tpu.vector_load %arg8[%get3A_572, %get3A_573] {strides = array<i32>} : memref<4x128xi32, #tpu.memory_space<vmem>>, vector<1x16xi32>,
    %get3A_575 = vector.shape_cast %get3A_574 : vector<1x16xi32> to vector<16xi32>
    %mul3A_576 = arith.constant 4 : i32
    %mul3A_577 = vector.broadcast %mul3A_576 : i32 to vector<16xi32>
    %mul3A_578 = arith.muli %get3A_575, %mul3A_577 : vector<16xi32>
    %swap3A_579 = arith.constant 3 : i32
    %swap3A_580 = arith.index_cast %swap3A_579 : i32 to index
    %swap3A_581 = arith.constant 96 : index
    %swap3A_582 = tpu.vector_load %arg8[%swap3A_580, %swap3A_581] {strides = array<i32>} : memref<4x128xi32, #tpu.memory_space<vmem>>, vector<1x16xi32>,
    %swap3A_583 = vector.shape_cast %swap3A_582 : vector<1x16xi32> to vector<16xi32>
    %swap3A_584 = vector.shape_cast %mul3A_578 : vector<16xi32> to vector<1x16xi32>
    tpu.vector_store %arg8[%swap3A_580, %swap3A_581], %swap3A_584 {strides = array<i32>} : memref<4x128xi32, #tpu.memory_space<vmem>>, vector<1x16xi32>,
    %get3A_585 = arith.constant 3 : i32
    %get3A_586 = arith.index_cast %get3A_585 : i32 to index
    %get3A_587 = arith.constant 112 : index
    %get3A_588 = tpu.vector_load %arg8[%get3A_586, %get3A_587] {strides = array<i32>} : memref<4x128xi32, #tpu.memory_space<vmem>>, vector<1x16xi32>,
    %get3A_589 = vector.shape_cast %get3A_588 : vector<1x16xi32> to vector<16xi32>
    %mul3A_590 = arith.constant 4 : i32
    %mul3A_591 = vector.broadcast %mul3A_590 : i32 to vector<16xi32>
    %mul3A_592 = arith.muli %get3A_589, %mul3A_591 : vector<16xi32>
    %swap3A_593 = arith.constant 3 : i32
    %swap3A_594 = arith.index_cast %swap3A_593 : i32 to index
    %swap3A_595 = arith.constant 112 : index
    %swap3A_596 = tpu.vector_load %arg8[%swap3A_594, %swap3A_595] {strides = array<i32>} : memref<4x128xi32, #tpu.memory_space<vmem>>, vector<1x16xi32>,
    %swap3A_597 = vector.shape_cast %swap3A_596 : vector<1x16xi32> to vector<16xi32>
    %swap3A_598 = vector.shape_cast %mul3A_592 : vector<16xi32> to vector<1x16xi32>
    tpu.vector_store %arg8[%swap3A_594, %swap3A_595], %swap3A_598 {strides = array<i32>} : memref<4x128xi32, #tpu.memory_space<vmem>>, vector<1x16xi32>,
    %get3A_599 = arith.constant 0 : i32
    %get3A_600 = arith.index_cast %get3A_599 : i32 to index
    %get3A_601 = arith.constant 0 : index
    %get3A_602 = tpu.vector_load %arg9[%get3A_600, %get3A_601] {strides = array<i32>} : memref<4x128xi32, #tpu.memory_space<vmem>>, vector<1x16xi32>,
    %get3A_603 = vector.shape_cast %get3A_602 : vector<1x16xi32> to vector<16xi32>
    %mul3A_604 = arith.constant 4 : i32
    %mul3A_605 = vector.broadcast %mul3A_604 : i32 to vector<16xi32>
    %mul3A_606 = arith.muli %get3A_603, %mul3A_605 : vector<16xi32>
    %swap3A_607 = arith.constant 0 : i32
    %swap3A_608 = arith.index_cast %swap3A_607 : i32 to index
    %swap3A_609 = arith.constant 0 : index
    %swap3A_610 = tpu.vector_load %arg9[%swap3A_608, %swap3A_609] {strides = array<i32>} : memref<4x128xi32, #tpu.memory_space<vmem>>, vector<1x16xi32>,
    %swap3A_611 = vector.shape_cast %swap3A_610 : vector<1x16xi32> to vector<16xi32>
    %swap3A_612 = vector.shape_cast %mul3A_606 : vector<16xi32> to vector<1x16xi32>
    tpu.vector_store %arg9[%swap3A_608, %swap3A_609], %swap3A_612 {strides = array<i32>} : memref<4x128xi32, #tpu.memory_space<vmem>>, vector<1x16xi32>,
    %get3A_613 = arith.constant 0 : i32
    %get3A_614 = arith.index_cast %get3A_613 : i32 to index
    %get3A_615 = arith.constant 16 : index
    %get3A_616 = tpu.vector_load %arg9[%get3A_614, %get3A_615] {strides = array<i32>} : memref<4x128xi32, #tpu.memory_space<vmem>>, vector<1x16xi32>,
    %get3A_617 = vector.shape_cast %get3A_616 : vector<1x16xi32> to vector<16xi32>
    %mul3A_618 = arith.constant 4 : i32
    %mul3A_619 = vector.broadcast %mul3A_618 : i32 to vector<16xi32>
    %mul3A_620 = arith.muli %get3A_617, %mul3A_619 : vector<16xi32>
    %swap3A_621 = arith.constant 0 : i32
    %swap3A_622 = arith.index_cast %swap3A_621 : i32 to index
    %swap3A_623 = arith.constant 16 : index
    %swap3A_624 = tpu.vector_load %arg9[%swap3A_622, %swap3A_623] {strides = array<i32>} : memref<4x128xi32, #tpu.memory_space<vmem>>, vector<1x16xi32>,
    %swap3A_625 = vector.shape_cast %swap3A_624 : vector<1x16xi32> to vector<16xi32>
    %swap3A_626 = vector.shape_cast %mul3A_620 : vector<16xi32> to vector<1x16xi32>
    tpu.vector_store %arg9[%swap3A_622, %swap3A_623], %swap3A_626 {strides = array<i32>} : memref<4x128xi32, #tpu.memory_space<vmem>>, vector<1x16xi32>,
    %get3A_627 = arith.constant 0 : i32
    %get3A_628 = arith.index_cast %get3A_627 : i32 to index
    %get3A_629 = arith.constant 32 : index
    %get3A_630 = tpu.vector_load %arg9[%get3A_628, %get3A_629] {strides = array<i32>} : memref<4x128xi32, #tpu.memory_space<vmem>>, vector<1x16xi32>,
    %get3A_631 = vector.shape_cast %get3A_630 : vector<1x16xi32> to vector<16xi32>
    %mul3A_632 = arith.constant 4 : i32
    %mul3A_633 = vector.broadcast %mul3A_632 : i32 to vector<16xi32>
    %mul3A_634 = arith.muli %get3A_631, %mul3A_633 : vector<16xi32>
    %swap3A_635 = arith.constant 0 : i32
    %swap3A_636 = arith.index_cast %swap3A_635 : i32 to index
    %swap3A_637 = arith.constant 32 : index
    %swap3A_638 = tpu.vector_load %arg9[%swap3A_636, %swap3A_637] {strides = array<i32>} : memref<4x128xi32, #tpu.memory_space<vmem>>, vector<1x16xi32>,
    %swap3A_639 = vector.shape_cast %swap3A_638 : vector<1x16xi32> to vector<16xi32>
    %swap3A_640 = vector.shape_cast %mul3A_634 : vector<16xi32> to vector<1x16xi32>
    tpu.vector_store %arg9[%swap3A_636, %swap3A_637], %swap3A_640 {strides = array<i32>} : memref<4x128xi32, #tpu.memory_space<vmem>>, vector<1x16xi32>,
    %get3A_641 = arith.constant 0 : i32
    %get3A_642 = arith.index_cast %get3A_641 : i32 to index
    %get3A_643 = arith.constant 48 : index
    %get3A_644 = tpu.vector_load %arg9[%get3A_642, %get3A_643] {strides = array<i32>} : memref<4x128xi32, #tpu.memory_space<vmem>>, vector<1x16xi32>,
    %get3A_645 = vector.shape_cast %get3A_644 : vector<1x16xi32> to vector<16xi32>
    %mul3A_646 = arith.constant 4 : i32
    %mul3A_647 = vector.broadcast %mul3A_646 : i32 to vector<16xi32>
    %mul3A_648 = arith.muli %get3A_645, %mul3A_647 : vector<16xi32>
    %swap3A_649 = arith.constant 0 : i32
    %swap3A_650 = arith.index_cast %swap3A_649 : i32 to index
    %swap3A_651 = arith.constant 48 : index
    %swap3A_652 = tpu.vector_load %arg9[%swap3A_650, %swap3A_651] {strides = array<i32>} : memref<4x128xi32, #tpu.memory_space<vmem>>, vector<1x16xi32>,
    %swap3A_653 = vector.shape_cast %swap3A_652 : vector<1x16xi32> to vector<16xi32>
    %swap3A_654 = vector.shape_cast %mul3A_648 : vector<16xi32> to vector<1x16xi32>
    tpu.vector_store %arg9[%swap3A_650, %swap3A_651], %swap3A_654 {strides = array<i32>} : memref<4x128xi32, #tpu.memory_space<vmem>>, vector<1x16xi32>,
    %get3A_655 = arith.constant 0 : i32
    %get3A_656 = arith.index_cast %get3A_655 : i32 to index
    %get3A_657 = arith.constant 64 : index
    %get3A_658 = tpu.vector_load %arg9[%get3A_656, %get3A_657] {strides = array<i32>} : memref<4x128xi32, #tpu.memory_space<vmem>>, vector<1x16xi32>,
    %get3A_659 = vector.shape_cast %get3A_658 : vector<1x16xi32> to vector<16xi32>
    %mul3A_660 = arith.constant 4 : i32
    %mul3A_661 = vector.broadcast %mul3A_660 : i32 to vector<16xi32>
    %mul3A_662 = arith.muli %get3A_659, %mul3A_661 : vector<16xi32>
    %swap3A_663 = arith.constant 0 : i32
    %swap3A_664 = arith.index_cast %swap3A_663 : i32 to index
    %swap3A_665 = arith.constant 64 : index
    %swap3A_666 = tpu.vector_load %arg9[%swap3A_664, %swap3A_665] {strides = array<i32>} : memref<4x128xi32, #tpu.memory_space<vmem>>, vector<1x16xi32>,
    %swap3A_667 = vector.shape_cast %swap3A_666 : vector<1x16xi32> to vector<16xi32>
    %swap3A_668 = vector.shape_cast %mul3A_662 : vector<16xi32> to vector<1x16xi32>
    tpu.vector_store %arg9[%swap3A_664, %swap3A_665], %swap3A_668 {strides = array<i32>} : memref<4x128xi32, #tpu.memory_space<vmem>>, vector<1x16xi32>,
    %get3A_669 = arith.constant 0 : i32
    %get3A_670 = arith.index_cast %get3A_669 : i32 to index
    %get3A_671 = arith.constant 80 : index
    %get3A_672 = tpu.vector_load %arg9[%get3A_670, %get3A_671] {strides = array<i32>} : memref<4x128xi32, #tpu.memory_space<vmem>>, vector<1x16xi32>,
    %get3A_673 = vector.shape_cast %get3A_672 : vector<1x16xi32> to vector<16xi32>
    %mul3A_674 = arith.constant 4 : i32
    %mul3A_675 = vector.broadcast %mul3A_674 : i32 to vector<16xi32>
    %mul3A_676 = arith.muli %get3A_673, %mul3A_675 : vector<16xi32>
    %swap3A_677 = arith.constant 0 : i32
    %swap3A_678 = arith.index_cast %swap3A_677 : i32 to index
    %swap3A_679 = arith.constant 80 : index
    %swap3A_680 = tpu.vector_load %arg9[%swap3A_678, %swap3A_679] {strides = array<i32>} : memref<4x128xi32, #tpu.memory_space<vmem>>, vector<1x16xi32>,
    %swap3A_681 = vector.shape_cast %swap3A_680 : vector<1x16xi32> to vector<16xi32>
    %swap3A_682 = vector.shape_cast %mul3A_676 : vector<16xi32> to vector<1x16xi32>
    tpu.vector_store %arg9[%swap3A_678, %swap3A_679], %swap3A_682 {strides = array<i32>} : memref<4x128xi32, #tpu.memory_space<vmem>>, vector<1x16xi32>,
    %get3A_683 = arith.constant 0 : i32
    %get3A_684 = arith.index_cast %get3A_683 : i32 to index
    %get3A_685 = arith.constant 96 : index
    %get3A_686 = tpu.vector_load %arg9[%get3A_684, %get3A_685] {strides = array<i32>} : memref<4x128xi32, #tpu.memory_space<vmem>>, vector<1x16xi32>,
    %get3A_687 = vector.shape_cast %get3A_686 : vector<1x16xi32> to vector<16xi32>
    %mul3A_688 = arith.constant 4 : i32
    %mul3A_689 = vector.broadcast %mul3A_688 : i32 to vector<16xi32>
    %mul3A_690 = arith.muli %get3A_687, %mul3A_689 : vector<16xi32>
    %swap3A_691 = arith.constant 0 : i32
    %swap3A_692 = arith.index_cast %swap3A_691 : i32 to index
    %swap3A_693 = arith.constant 96 : index
    %swap3A_694 = tpu.vector_load %arg9[%swap3A_692, %swap3A_693] {strides = array<i32>} : memref<4x128xi32, #tpu.memory_space<vmem>>, vector<1x16xi32>,
    %swap3A_695 = vector.shape_cast %swap3A_694 : vector<1x16xi32> to vector<16xi32>
    %swap3A_696 = vector.shape_cast %mul3A_690 : vector<16xi32> to vector<1x16xi32>
    tpu.vector_store %arg9[%swap3A_692, %swap3A_693], %swap3A_696 {strides = array<i32>} : memref<4x128xi32, #tpu.memory_space<vmem>>, vector<1x16xi32>,
    %get3A_697 = arith.constant 0 : i32
    %get3A_698 = arith.index_cast %get3A_697 : i32 to index
    %get3A_699 = arith.constant 112 : index
    %get3A_700 = tpu.vector_load %arg9[%get3A_698, %get3A_699] {strides = array<i32>} : memref<4x128xi32, #tpu.memory_space<vmem>>, vector<1x16xi32>,
    %get3A_701 = vector.shape_cast %get3A_700 : vector<1x16xi32> to vector<16xi32>
    %mul3A_702 = arith.constant 4 : i32
    %mul3A_703 = vector.broadcast %mul3A_702 : i32 to vector<16xi32>
    %mul3A_704 = arith.muli %get3A_701, %mul3A_703 : vector<16xi32>
    %swap3A_705 = arith.constant 0 : i32
    %swap3A_706 = arith.index_cast %swap3A_705 : i32 to index
    %swap3A_707 = arith.constant 112 : index
    %swap3A_708 = tpu.vector_load %arg9[%swap3A_706, %swap3A_707] {strides = array<i32>} : memref<4x128xi32, #tpu.memory_space<vmem>>, vector<1x16xi32>,
    %swap3A_709 = vector.shape_cast %swap3A_708 : vector<1x16xi32> to vector<16xi32>
    %swap3A_710 = vector.shape_cast %mul3A_704 : vector<16xi32> to vector<1x16xi32>
    tpu.vector_store %arg9[%swap3A_706, %swap3A_707], %swap3A_710 {strides = array<i32>} : memref<4x128xi32, #tpu.memory_space<vmem>>, vector<1x16xi32>,
    %get3A_711 = arith.constant 1 : i32
    %get3A_712 = arith.index_cast %get3A_711 : i32 to index
    %get3A_713 = arith.constant 0 : index
    %get3A_714 = tpu.vector_load %arg9[%get3A_712, %get3A_713] {strides = array<i32>} : memref<4x128xi32, #tpu.memory_space<vmem>>, vector<1x16xi32>,
    %get3A_715 = vector.shape_cast %get3A_714 : vector<1x16xi32> to vector<16xi32>
    %mul3A_716 = arith.constant 4 : i32
    %mul3A_717 = vector.broadcast %mul3A_716 : i32 to vector<16xi32>
    %mul3A_718 = arith.muli %get3A_715, %mul3A_717 : vector<16xi32>
    %swap3A_719 = arith.constant 1 : i32
    %swap3A_720 = arith.index_cast %swap3A_719 : i32 to index
    %swap3A_721 = arith.constant 0 : index
    %swap3A_722 = tpu.vector_load %arg9[%swap3A_720, %swap3A_721] {strides = array<i32>} : memref<4x128xi32, #tpu.memory_space<vmem>>, vector<1x16xi32>,
    %swap3A_723 = vector.shape_cast %swap3A_722 : vector<1x16xi32> to vector<16xi32>
    %swap3A_724 = vector.shape_cast %mul3A_718 : vector<16xi32> to vector<1x16xi32>
    tpu.vector_store %arg9[%swap3A_720, %swap3A_721], %swap3A_724 {strides = array<i32>} : memref<4x128xi32, #tpu.memory_space<vmem>>, vector<1x16xi32>,
    %get3A_725 = arith.constant 1 : i32
    %get3A_726 = arith.index_cast %get3A_725 : i32 to index
    %get3A_727 = arith.constant 16 : index
    %get3A_728 = tpu.vector_load %arg9[%get3A_726, %get3A_727] {strides = array<i32>} : memref<4x128xi32, #tpu.memory_space<vmem>>, vector<1x16xi32>,
    %get3A_729 = vector.shape_cast %get3A_728 : vector<1x16xi32> to vector<16xi32>
    %mul3A_730 = arith.constant 4 : i32
    %mul3A_731 = vector.broadcast %mul3A_730 : i32 to vector<16xi32>
    %mul3A_732 = arith.muli %get3A_729, %mul3A_731 : vector<16xi32>
    %swap3A_733 = arith.constant 1 : i32
    %swap3A_734 = arith.index_cast %swap3A_733 : i32 to index
    %swap3A_735 = arith.constant 16 : index
    %swap3A_736 = tpu.vector_load %arg9[%swap3A_734, %swap3A_735] {strides = array<i32>} : memref<4x128xi32, #tpu.memory_space<vmem>>, vector<1x16xi32>,
    %swap3A_737 = vector.shape_cast %swap3A_736 : vector<1x16xi32> to vector<16xi32>
    %swap3A_738 = vector.shape_cast %mul3A_732 : vector<16xi32> to vector<1x16xi32>
    tpu.vector_store %arg9[%swap3A_734, %swap3A_735], %swap3A_738 {strides = array<i32>} : memref<4x128xi32, #tpu.memory_space<vmem>>, vector<1x16xi32>,
    %get3A_739 = arith.constant 1 : i32
    %get3A_740 = arith.index_cast %get3A_739 : i32 to index
    %get3A_741 = arith.constant 32 : index
    %get3A_742 = tpu.vector_load %arg9[%get3A_740, %get3A_741] {strides = array<i32>} : memref<4x128xi32, #tpu.memory_space<vmem>>, vector<1x16xi32>,
    %get3A_743 = vector.shape_cast %get3A_742 : vector<1x16xi32> to vector<16xi32>
    %mul3A_744 = arith.constant 4 : i32
    %mul3A_745 = vector.broadcast %mul3A_744 : i32 to vector<16xi32>
    %mul3A_746 = arith.muli %get3A_743, %mul3A_745 : vector<16xi32>
    %swap3A_747 = arith.constant 1 : i32
    %swap3A_748 = arith.index_cast %swap3A_747 : i32 to index
    %swap3A_749 = arith.constant 32 : index
    %swap3A_750 = tpu.vector_load %arg9[%swap3A_748, %swap3A_749] {strides = array<i32>} : memref<4x128xi32, #tpu.memory_space<vmem>>, vector<1x16xi32>,
    %swap3A_751 = vector.shape_cast %swap3A_750 : vector<1x16xi32> to vector<16xi32>
    %swap3A_752 = vector.shape_cast %mul3A_746 : vector<16xi32> to vector<1x16xi32>
    tpu.vector_store %arg9[%swap3A_748, %swap3A_749], %swap3A_752 {strides = array<i32>} : memref<4x128xi32, #tpu.memory_space<vmem>>, vector<1x16xi32>,
    %get3A_753 = arith.constant 1 : i32
    %get3A_754 = arith.index_cast %get3A_753 : i32 to index
    %get3A_755 = arith.constant 48 : index
    %get3A_756 = tpu.vector_load %arg9[%get3A_754, %get3A_755] {strides = array<i32>} : memref<4x128xi32, #tpu.memory_space<vmem>>, vector<1x16xi32>,
    %get3A_757 = vector.shape_cast %get3A_756 : vector<1x16xi32> to vector<16xi32>
    %mul3A_758 = arith.constant 4 : i32
    %mul3A_759 = vector.broadcast %mul3A_758 : i32 to vector<16xi32>
    %mul3A_760 = arith.muli %get3A_757, %mul3A_759 : vector<16xi32>
    %swap3A_761 = arith.constant 1 : i32
    %swap3A_762 = arith.index_cast %swap3A_761 : i32 to index
    %swap3A_763 = arith.constant 48 : index
    %swap3A_764 = tpu.vector_load %arg9[%swap3A_762, %swap3A_763] {strides = array<i32>} : memref<4x128xi32, #tpu.memory_space<vmem>>, vector<1x16xi32>,
    %swap3A_765 = vector.shape_cast %swap3A_764 : vector<1x16xi32> to vector<16xi32>
    %swap3A_766 = vector.shape_cast %mul3A_760 : vector<16xi32> to vector<1x16xi32>
    tpu.vector_store %arg9[%swap3A_762, %swap3A_763], %swap3A_766 {strides = array<i32>} : memref<4x128xi32, #tpu.memory_space<vmem>>, vector<1x16xi32>,
    %get3A_767 = arith.constant 1 : i32
    %get3A_768 = arith.index_cast %get3A_767 : i32 to index
    %get3A_769 = arith.constant 64 : index
    %get3A_770 = tpu.vector_load %arg9[%get3A_768, %get3A_769] {strides = array<i32>} : memref<4x128xi32, #tpu.memory_space<vmem>>, vector<1x16xi32>,
    %get3A_771 = vector.shape_cast %get3A_770 : vector<1x16xi32> to vector<16xi32>
    %mul3A_772 = arith.constant 4 : i32
    %mul3A_773 = vector.broadcast %mul3A_772 : i32 to vector<16xi32>
    %mul3A_774 = arith.muli %get3A_771, %mul3A_773 : vector<16xi32>
    %swap3A_775 = arith.constant 1 : i32
    %swap3A_776 = arith.index_cast %swap3A_775 : i32 to index
    %swap3A_777 = arith.constant 64 : index
    %swap3A_778 = tpu.vector_load %arg9[%swap3A_776, %swap3A_777] {strides = array<i32>} : memref<4x128xi32, #tpu.memory_space<vmem>>, vector<1x16xi32>,
    %swap3A_779 = vector.shape_cast %swap3A_778 : vector<1x16xi32> to vector<16xi32>
    %swap3A_780 = vector.shape_cast %mul3A_774 : vector<16xi32> to vector<1x16xi32>
    tpu.vector_store %arg9[%swap3A_776, %swap3A_777], %swap3A_780 {strides = array<i32>} : memref<4x128xi32, #tpu.memory_space<vmem>>, vector<1x16xi32>,
    %get3A_781 = arith.constant 1 : i32
    %get3A_782 = arith.index_cast %get3A_781 : i32 to index
    %get3A_783 = arith.constant 80 : index
    %get3A_784 = tpu.vector_load %arg9[%get3A_782, %get3A_783] {strides = array<i32>} : memref<4x128xi32, #tpu.memory_space<vmem>>, vector<1x16xi32>,
    %get3A_785 = vector.shape_cast %get3A_784 : vector<1x16xi32> to vector<16xi32>
    %mul3A_786 = arith.constant 4 : i32
    %mul3A_787 = vector.broadcast %mul3A_786 : i32 to vector<16xi32>
    %mul3A_788 = arith.muli %get3A_785, %mul3A_787 : vector<16xi32>
    %swap3A_789 = arith.constant 1 : i32
    %swap3A_790 = arith.index_cast %swap3A_789 : i32 to index
    %swap3A_791 = arith.constant 80 : index
    %swap3A_792 = tpu.vector_load %arg9[%swap3A_790, %swap3A_791] {strides = array<i32>} : memref<4x128xi32, #tpu.memory_space<vmem>>, vector<1x16xi32>,
    %swap3A_793 = vector.shape_cast %swap3A_792 : vector<1x16xi32> to vector<16xi32>
    %swap3A_794 = vector.shape_cast %mul3A_788 : vector<16xi32> to vector<1x16xi32>
    tpu.vector_store %arg9[%swap3A_790, %swap3A_791], %swap3A_794 {strides = array<i32>} : memref<4x128xi32, #tpu.memory_space<vmem>>, vector<1x16xi32>,
    %get3A_795 = arith.constant 1 : i32
    %get3A_796 = arith.index_cast %get3A_795 : i32 to index
    %get3A_797 = arith.constant 96 : index
    %get3A_798 = tpu.vector_load %arg9[%get3A_796, %get3A_797] {strides = array<i32>} : memref<4x128xi32, #tpu.memory_space<vmem>>, vector<1x16xi32>,
    %get3A_799 = vector.shape_cast %get3A_798 : vector<1x16xi32> to vector<16xi32>
    %mul3A_800 = arith.constant 4 : i32
    %mul3A_801 = vector.broadcast %mul3A_800 : i32 to vector<16xi32>
    %mul3A_802 = arith.muli %get3A_799, %mul3A_801 : vector<16xi32>
    %swap3A_803 = arith.constant 1 : i32
    %swap3A_804 = arith.index_cast %swap3A_803 : i32 to index
    %swap3A_805 = arith.constant 96 : index
    %swap3A_806 = tpu.vector_load %arg9[%swap3A_804, %swap3A_805] {strides = array<i32>} : memref<4x128xi32, #tpu.memory_space<vmem>>, vector<1x16xi32>,
    %swap3A_807 = vector.shape_cast %swap3A_806 : vector<1x16xi32> to vector<16xi32>
    %swap3A_808 = vector.shape_cast %mul3A_802 : vector<16xi32> to vector<1x16xi32>
    tpu.vector_store %arg9[%swap3A_804, %swap3A_805], %swap3A_808 {strides = array<i32>} : memref<4x128xi32, #tpu.memory_space<vmem>>, vector<1x16xi32>,
    %get3A_809 = arith.constant 1 : i32
    %get3A_810 = arith.index_cast %get3A_809 : i32 to index
    %get3A_811 = arith.constant 112 : index
    %get3A_812 = tpu.vector_load %arg9[%get3A_810, %get3A_811] {strides = array<i32>} : memref<4x128xi32, #tpu.memory_space<vmem>>, vector<1x16xi32>,
    %get3A_813 = vector.shape_cast %get3A_812 : vector<1x16xi32> to vector<16xi32>
    %mul3A_814 = arith.constant 4 : i32
    %mul3A_815 = vector.broadcast %mul3A_814 : i32 to vector<16xi32>
    %mul3A_816 = arith.muli %get3A_813, %mul3A_815 : vector<16xi32>
    %swap3A_817 = arith.constant 1 : i32
    %swap3A_818 = arith.index_cast %swap3A_817 : i32 to index
    %swap3A_819 = arith.constant 112 : index
    %swap3A_820 = tpu.vector_load %arg9[%swap3A_818, %swap3A_819] {strides = array<i32>} : memref<4x128xi32, #tpu.memory_space<vmem>>, vector<1x16xi32>,
    %swap3A_821 = vector.shape_cast %swap3A_820 : vector<1x16xi32> to vector<16xi32>
    %swap3A_822 = vector.shape_cast %mul3A_816 : vector<16xi32> to vector<1x16xi32>
    tpu.vector_store %arg9[%swap3A_818, %swap3A_819], %swap3A_822 {strides = array<i32>} : memref<4x128xi32, #tpu.memory_space<vmem>>, vector<1x16xi32>,
    %get3A_823 = arith.constant 2 : i32
    %get3A_824 = arith.index_cast %get3A_823 : i32 to index
    %get3A_825 = arith.constant 0 : index
    %get3A_826 = tpu.vector_load %arg9[%get3A_824, %get3A_825] {strides = array<i32>} : memref<4x128xi32, #tpu.memory_space<vmem>>, vector<1x16xi32>,
    %get3A_827 = vector.shape_cast %get3A_826 : vector<1x16xi32> to vector<16xi32>
    %mul3A_828 = arith.constant 4 : i32
    %mul3A_829 = vector.broadcast %mul3A_828 : i32 to vector<16xi32>
    %mul3A_830 = arith.muli %get3A_827, %mul3A_829 : vector<16xi32>
    %swap3A_831 = arith.constant 2 : i32
    %swap3A_832 = arith.index_cast %swap3A_831 : i32 to index
    %swap3A_833 = arith.constant 0 : index
    %swap3A_834 = tpu.vector_load %arg9[%swap3A_832, %swap3A_833] {strides = array<i32>} : memref<4x128xi32, #tpu.memory_space<vmem>>, vector<1x16xi32>,
    %swap3A_835 = vector.shape_cast %swap3A_834 : vector<1x16xi32> to vector<16xi32>
    %swap3A_836 = vector.shape_cast %mul3A_830 : vector<16xi32> to vector<1x16xi32>
    tpu.vector_store %arg9[%swap3A_832, %swap3A_833], %swap3A_836 {strides = array<i32>} : memref<4x128xi32, #tpu.memory_space<vmem>>, vector<1x16xi32>,
    %get3A_837 = arith.constant 2 : i32
    %get3A_838 = arith.index_cast %get3A_837 : i32 to index
    %get3A_839 = arith.constant 16 : index
    %get3A_840 = tpu.vector_load %arg9[%get3A_838, %get3A_839] {strides = array<i32>} : memref<4x128xi32, #tpu.memory_space<vmem>>, vector<1x16xi32>,
    %get3A_841 = vector.shape_cast %get3A_840 : vector<1x16xi32> to vector<16xi32>
    %mul3A_842 = arith.constant 4 : i32
    %mul3A_843 = vector.broadcast %mul3A_842 : i32 to vector<16xi32>
    %mul3A_844 = arith.muli %get3A_841, %mul3A_843 : vector<16xi32>
    %swap3A_845 = arith.constant 2 : i32
    %swap3A_846 = arith.index_cast %swap3A_845 : i32 to index
    %swap3A_847 = arith.constant 16 : index
    %swap3A_848 = tpu.vector_load %arg9[%swap3A_846, %swap3A_847] {strides = array<i32>} : memref<4x128xi32, #tpu.memory_space<vmem>>, vector<1x16xi32>,
    %swap3A_849 = vector.shape_cast %swap3A_848 : vector<1x16xi32> to vector<16xi32>
    %swap3A_850 = vector.shape_cast %mul3A_844 : vector<16xi32> to vector<1x16xi32>
    tpu.vector_store %arg9[%swap3A_846, %swap3A_847], %swap3A_850 {strides = array<i32>} : memref<4x128xi32, #tpu.memory_space<vmem>>, vector<1x16xi32>,
    %get3A_851 = arith.constant 2 : i32
    %get3A_852 = arith.index_cast %get3A_851 : i32 to index
    %get3A_853 = arith.constant 32 : index
    %get3A_854 = tpu.vector_load %arg9[%get3A_852, %get3A_853] {strides = array<i32>} : memref<4x128xi32, #tpu.memory_space<vmem>>, vector<1x16xi32>,
    %get3A_855 = vector.shape_cast %get3A_854 : vector<1x16xi32> to vector<16xi32>
    %mul3A_856 = arith.constant 4 : i32
    %mul3A_857 = vector.broadcast %mul3A_856 : i32 to vector<16xi32>
    %mul3A_858 = arith.muli %get3A_855, %mul3A_857 : vector<16xi32>
    %swap3A_859 = arith.constant 2 : i32
    %swap3A_860 = arith.index_cast %swap3A_859 : i32 to index
    %swap3A_861 = arith.constant 32 : index
    %swap3A_862 = tpu.vector_load %arg9[%swap3A_860, %swap3A_861] {strides = array<i32>} : memref<4x128xi32, #tpu.memory_space<vmem>>, vector<1x16xi32>,
    %swap3A_863 = vector.shape_cast %swap3A_862 : vector<1x16xi32> to vector<16xi32>
    %swap3A_864 = vector.shape_cast %mul3A_858 : vector<16xi32> to vector<1x16xi32>
    tpu.vector_store %arg9[%swap3A_860, %swap3A_861], %swap3A_864 {strides = array<i32>} : memref<4x128xi32, #tpu.memory_space<vmem>>, vector<1x16xi32>,
    %get3A_865 = arith.constant 2 : i32
    %get3A_866 = arith.index_cast %get3A_865 : i32 to index
    %get3A_867 = arith.constant 48 : index
    %get3A_868 = tpu.vector_load %arg9[%get3A_866, %get3A_867] {strides = array<i32>} : memref<4x128xi32, #tpu.memory_space<vmem>>, vector<1x16xi32>,
    %get3A_869 = vector.shape_cast %get3A_868 : vector<1x16xi32> to vector<16xi32>
    %mul3A_870 = arith.constant 4 : i32
    %mul3A_871 = vector.broadcast %mul3A_870 : i32 to vector<16xi32>
    %mul3A_872 = arith.muli %get3A_869, %mul3A_871 : vector<16xi32>
    %swap3A_873 = arith.constant 2 : i32
    %swap3A_874 = arith.index_cast %swap3A_873 : i32 to index
    %swap3A_875 = arith.constant 48 : index
    %swap3A_876 = tpu.vector_load %arg9[%swap3A_874, %swap3A_875] {strides = array<i32>} : memref<4x128xi32, #tpu.memory_space<vmem>>, vector<1x16xi32>,
    %swap3A_877 = vector.shape_cast %swap3A_876 : vector<1x16xi32> to vector<16xi32>
    %swap3A_878 = vector.shape_cast %mul3A_872 : vector<16xi32> to vector<1x16xi32>
    tpu.vector_store %arg9[%swap3A_874, %swap3A_875], %swap3A_878 {strides = array<i32>} : memref<4x128xi32, #tpu.memory_space<vmem>>, vector<1x16xi32>,
    %get3A_879 = arith.constant 2 : i32
    %get3A_880 = arith.index_cast %get3A_879 : i32 to index
    %get3A_881 = arith.constant 64 : index
    %get3A_882 = tpu.vector_load %arg9[%get3A_880, %get3A_881] {strides = array<i32>} : memref<4x128xi32, #tpu.memory_space<vmem>>, vector<1x16xi32>,
    %get3A_883 = vector.shape_cast %get3A_882 : vector<1x16xi32> to vector<16xi32>
    %mul3A_884 = arith.constant 4 : i32
    %mul3A_885 = vector.broadcast %mul3A_884 : i32 to vector<16xi32>
    %mul3A_886 = arith.muli %get3A_883, %mul3A_885 : vector<16xi32>
    %swap3A_887 = arith.constant 2 : i32
    %swap3A_888 = arith.index_cast %swap3A_887 : i32 to index
    %swap3A_889 = arith.constant 64 : index
    %swap3A_890 = tpu.vector_load %arg9[%swap3A_888, %swap3A_889] {strides = array<i32>} : memref<4x128xi32, #tpu.memory_space<vmem>>, vector<1x16xi32>,
    %swap3A_891 = vector.shape_cast %swap3A_890 : vector<1x16xi32> to vector<16xi32>
    %swap3A_892 = vector.shape_cast %mul3A_886 : vector<16xi32> to vector<1x16xi32>
    tpu.vector_store %arg9[%swap3A_888, %swap3A_889], %swap3A_892 {strides = array<i32>} : memref<4x128xi32, #tpu.memory_space<vmem>>, vector<1x16xi32>,
    %get3A_893 = arith.constant 2 : i32
    %get3A_894 = arith.index_cast %get3A_893 : i32 to index
    %get3A_895 = arith.constant 80 : index
    %get3A_896 = tpu.vector_load %arg9[%get3A_894, %get3A_895] {strides = array<i32>} : memref<4x128xi32, #tpu.memory_space<vmem>>, vector<1x16xi32>,
    %get3A_897 = vector.shape_cast %get3A_896 : vector<1x16xi32> to vector<16xi32>
    %mul3A_898 = arith.constant 4 : i32
    %mul3A_899 = vector.broadcast %mul3A_898 : i32 to vector<16xi32>
    %mul3A_900 = arith.muli %get3A_897, %mul3A_899 : vector<16xi32>
    %swap3A_901 = arith.constant 2 : i32
    %swap3A_902 = arith.index_cast %swap3A_901 : i32 to index
    %swap3A_903 = arith.constant 80 : index
    %swap3A_904 = tpu.vector_load %arg9[%swap3A_902, %swap3A_903] {strides = array<i32>} : memref<4x128xi32, #tpu.memory_space<vmem>>, vector<1x16xi32>,
    %swap3A_905 = vector.shape_cast %swap3A_904 : vector<1x16xi32> to vector<16xi32>
    %swap3A_906 = vector.shape_cast %mul3A_900 : vector<16xi32> to vector<1x16xi32>
    tpu.vector_store %arg9[%swap3A_902, %swap3A_903], %swap3A_906 {strides = array<i32>} : memref<4x128xi32, #tpu.memory_space<vmem>>, vector<1x16xi32>,
    %get3A_907 = arith.constant 2 : i32
    %get3A_908 = arith.index_cast %get3A_907 : i32 to index
    %get3A_909 = arith.constant 96 : index
    %get3A_910 = tpu.vector_load %arg9[%get3A_908, %get3A_909] {strides = array<i32>} : memref<4x128xi32, #tpu.memory_space<vmem>>, vector<1x16xi32>,
    %get3A_911 = vector.shape_cast %get3A_910 : vector<1x16xi32> to vector<16xi32>
    %mul3A_912 = arith.constant 4 : i32
    %mul3A_913 = vector.broadcast %mul3A_912 : i32 to vector<16xi32>
    %mul3A_914 = arith.muli %get3A_911, %mul3A_913 : vector<16xi32>
    %swap3A_915 = arith.constant 2 : i32
    %swap3A_916 = arith.index_cast %swap3A_915 : i32 to index
    %swap3A_917 = arith.constant 96 : index
    %swap3A_918 = tpu.vector_load %arg9[%swap3A_916, %swap3A_917] {strides = array<i32>} : memref<4x128xi32, #tpu.memory_space<vmem>>, vector<1x16xi32>,
    %swap3A_919 = vector.shape_cast %swap3A_918 : vector<1x16xi32> to vector<16xi32>
    %swap3A_920 = vector.shape_cast %mul3A_914 : vector<16xi32> to vector<1x16xi32>
    tpu.vector_store %arg9[%swap3A_916, %swap3A_917], %swap3A_920 {strides = array<i32>} : memref<4x128xi32, #tpu.memory_space<vmem>>, vector<1x16xi32>,
    %get3A_921 = arith.constant 2 : i32
    %get3A_922 = arith.index_cast %get3A_921 : i32 to index
    %get3A_923 = arith.constant 112 : index
    %get3A_924 = tpu.vector_load %arg9[%get3A_922, %get3A_923] {strides = array<i32>} : memref<4x128xi32, #tpu.memory_space<vmem>>, vector<1x16xi32>,
    %get3A_925 = vector.shape_cast %get3A_924 : vector<1x16xi32> to vector<16xi32>
    %mul3A_926 = arith.constant 4 : i32
    %mul3A_927 = vector.broadcast %mul3A_926 : i32 to vector<16xi32>
    %mul3A_928 = arith.muli %get3A_925, %mul3A_927 : vector<16xi32>
    %swap3A_929 = arith.constant 2 : i32
    %swap3A_930 = arith.index_cast %swap3A_929 : i32 to index
    %swap3A_931 = arith.constant 112 : index
    %swap3A_932 = tpu.vector_load %arg9[%swap3A_930, %swap3A_931] {strides = array<i32>} : memref<4x128xi32, #tpu.memory_space<vmem>>, vector<1x16xi32>,
    %swap3A_933 = vector.shape_cast %swap3A_932 : vector<1x16xi32> to vector<16xi32>
    %swap3A_934 = vector.shape_cast %mul3A_928 : vector<16xi32> to vector<1x16xi32>
    tpu.vector_store %arg9[%swap3A_930, %swap3A_931], %swap3A_934 {strides = array<i32>} : memref<4x128xi32, #tpu.memory_space<vmem>>, vector<1x16xi32>,
    %get3A_935 = arith.constant 3 : i32
    %get3A_936 = arith.index_cast %get3A_935 : i32 to index
    %get3A_937 = arith.constant 0 : index
    %get3A_938 = tpu.vector_load %arg9[%get3A_936, %get3A_937] {strides = array<i32>} : memref<4x128xi32, #tpu.memory_space<vmem>>, vector<1x16xi32>,
    %get3A_939 = vector.shape_cast %get3A_938 : vector<1x16xi32> to vector<16xi32>
    %mul3A_940 = arith.constant 4 : i32
    %mul3A_941 = vector.broadcast %mul3A_940 : i32 to vector<16xi32>
    %mul3A_942 = arith.muli %get3A_939, %mul3A_941 : vector<16xi32>
    %swap3A_943 = arith.constant 3 : i32
    %swap3A_944 = arith.index_cast %swap3A_943 : i32 to index
    %swap3A_945 = arith.constant 0 : index
    %swap3A_946 = tpu.vector_load %arg9[%swap3A_944, %swap3A_945] {strides = array<i32>} : memref<4x128xi32, #tpu.memory_space<vmem>>, vector<1x16xi32>,
    %swap3A_947 = vector.shape_cast %swap3A_946 : vector<1x16xi32> to vector<16xi32>
    %swap3A_948 = vector.shape_cast %mul3A_942 : vector<16xi32> to vector<1x16xi32>
    tpu.vector_store %arg9[%swap3A_944, %swap3A_945], %swap3A_948 {strides = array<i32>} : memref<4x128xi32, #tpu.memory_space<vmem>>, vector<1x16xi32>,
    %get3A_949 = arith.constant 3 : i32
    %get3A_950 = arith.index_cast %get3A_949 : i32 to index
    %get3A_951 = arith.constant 16 : index
    %get3A_952 = tpu.vector_load %arg9[%get3A_950, %get3A_951] {strides = array<i32>} : memref<4x128xi32, #tpu.memory_space<vmem>>, vector<1x16xi32>,
    %get3A_953 = vector.shape_cast %get3A_952 : vector<1x16xi32> to vector<16xi32>
    %mul3A_954 = arith.constant 4 : i32
    %mul3A_955 = vector.broadcast %mul3A_954 : i32 to vector<16xi32>
    %mul3A_956 = arith.muli %get3A_953, %mul3A_955 : vector<16xi32>
    %swap3A_957 = arith.constant 3 : i32
    %swap3A_958 = arith.index_cast %swap3A_957 : i32 to index
    %swap3A_959 = arith.constant 16 : index
    %swap3A_960 = tpu.vector_load %arg9[%swap3A_958, %swap3A_959] {strides = array<i32>} : memref<4x128xi32, #tpu.memory_space<vmem>>, vector<1x16xi32>,
    %swap3A_961 = vector.shape_cast %swap3A_960 : vector<1x16xi32> to vector<16xi32>
    %swap3A_962 = vector.shape_cast %mul3A_956 : vector<16xi32> to vector<1x16xi32>
    tpu.vector_store %arg9[%swap3A_958, %swap3A_959], %swap3A_962 {strides = array<i32>} : memref<4x128xi32, #tpu.memory_space<vmem>>, vector<1x16xi32>,
    %get3A_963 = arith.constant 3 : i32
    %get3A_964 = arith.index_cast %get3A_963 : i32 to index
    %get3A_965 = arith.constant 32 : index
    %get3A_966 = tpu.vector_load %arg9[%get3A_964, %get3A_965] {strides = array<i32>} : memref<4x128xi32, #tpu.memory_space<vmem>>, vector<1x16xi32>,
    %get3A_967 = vector.shape_cast %get3A_966 : vector<1x16xi32> to vector<16xi32>
    %mul3A_968 = arith.constant 4 : i32
    %mul3A_969 = vector.broadcast %mul3A_968 : i32 to vector<16xi32>
    %mul3A_970 = arith.muli %get3A_967, %mul3A_969 : vector<16xi32>
    %swap3A_971 = arith.constant 3 : i32
    %swap3A_972 = arith.index_cast %swap3A_971 : i32 to index
    %swap3A_973 = arith.constant 32 : index
    %swap3A_974 = tpu.vector_load %arg9[%swap3A_972, %swap3A_973] {strides = array<i32>} : memref<4x128xi32, #tpu.memory_space<vmem>>, vector<1x16xi32>,
    %swap3A_975 = vector.shape_cast %swap3A_974 : vector<1x16xi32> to vector<16xi32>
    %swap3A_976 = vector.shape_cast %mul3A_970 : vector<16xi32> to vector<1x16xi32>
    tpu.vector_store %arg9[%swap3A_972, %swap3A_973], %swap3A_976 {strides = array<i32>} : memref<4x128xi32, #tpu.memory_space<vmem>>, vector<1x16xi32>,
    %get3A_977 = arith.constant 3 : i32
    %get3A_978 = arith.index_cast %get3A_977 : i32 to index
    %get3A_979 = arith.constant 48 : index
    %get3A_980 = tpu.vector_load %arg9[%get3A_978, %get3A_979] {strides = array<i32>} : memref<4x128xi32, #tpu.memory_space<vmem>>, vector<1x16xi32>,
    %get3A_981 = vector.shape_cast %get3A_980 : vector<1x16xi32> to vector<16xi32>
    %mul3A_982 = arith.constant 4 : i32
    %mul3A_983 = vector.broadcast %mul3A_982 : i32 to vector<16xi32>
    %mul3A_984 = arith.muli %get3A_981, %mul3A_983 : vector<16xi32>
    %swap3A_985 = arith.constant 3 : i32
    %swap3A_986 = arith.index_cast %swap3A_985 : i32 to index
    %swap3A_987 = arith.constant 48 : index
    %swap3A_988 = tpu.vector_load %arg9[%swap3A_986, %swap3A_987] {strides = array<i32>} : memref<4x128xi32, #tpu.memory_space<vmem>>, vector<1x16xi32>,
    %swap3A_989 = vector.shape_cast %swap3A_988 : vector<1x16xi32> to vector<16xi32>
    %swap3A_990 = vector.shape_cast %mul3A_984 : vector<16xi32> to vector<1x16xi32>
    tpu.vector_store %arg9[%swap3A_986, %swap3A_987], %swap3A_990 {strides = array<i32>} : memref<4x128xi32, #tpu.memory_space<vmem>>, vector<1x16xi32>,
    %get3A_991 = arith.constant 3 : i32
    %get3A_992 = arith.index_cast %get3A_991 : i32 to index
    %get3A_993 = arith.constant 64 : index
    %get3A_994 = tpu.vector_load %arg9[%get3A_992, %get3A_993] {strides = array<i32>} : memref<4x128xi32, #tpu.memory_space<vmem>>, vector<1x16xi32>,
    %get3A_995 = vector.shape_cast %get3A_994 : vector<1x16xi32> to vector<16xi32>
    %mul3A_996 = arith.constant 4 : i32
    %mul3A_997 = vector.broadcast %mul3A_996 : i32 to vector<16xi32>
    %mul3A_998 = arith.muli %get3A_995, %mul3A_997 : vector<16xi32>
    %swap3A_999 = arith.constant 3 : i32
    %swap3A_1000 = arith.index_cast %swap3A_999 : i32 to index
    %swap3A_1001 = arith.constant 64 : index
    %swap3A_1002 = tpu.vector_load %arg9[%swap3A_1000, %swap3A_1001] {strides = array<i32>} : memref<4x128xi32, #tpu.memory_space<vmem>>, vector<1x16xi32>,
    %swap3A_1003 = vector.shape_cast %swap3A_1002 : vector<1x16xi32> to vector<16xi32>
    %swap3A_1004 = vector.shape_cast %mul3A_998 : vector<16xi32> to vector<1x16xi32>
    tpu.vector_store %arg9[%swap3A_1000, %swap3A_1001], %swap3A_1004 {strides = array<i32>} : memref<4x128xi32, #tpu.memory_space<vmem>>, vector<1x16xi32>,
    %get3A_1005 = arith.constant 3 : i32
    %get3A_1006 = arith.index_cast %get3A_1005 : i32 to index
    %get3A_1007 = arith.constant 80 : index
    %get3A_1008 = tpu.vector_load %arg9[%get3A_1006, %get3A_1007] {strides = array<i32>} : memref<4x128xi32, #tpu.memory_space<vmem>>, vector<1x16xi32>,
    %get3A_1009 = vector.shape_cast %get3A_1008 : vector<1x16xi32> to vector<16xi32>
    %mul3A_1010 = arith.constant 4 : i32
    %mul3A_1011 = vector.broadcast %mul3A_1010 : i32 to vector<16xi32>
    %mul3A_1012 = arith.muli %get3A_1009, %mul3A_1011 : vector<16xi32>
    %swap3A_1013 = arith.constant 3 : i32
    %swap3A_1014 = arith.index_cast %swap3A_1013 : i32 to index
    %swap3A_1015 = arith.constant 80 : index
    %swap3A_1016 = tpu.vector_load %arg9[%swap3A_1014, %swap3A_1015] {strides = array<i32>} : memref<4x128xi32, #tpu.memory_space<vmem>>, vector<1x16xi32>,
    %swap3A_1017 = vector.shape_cast %swap3A_1016 : vector<1x16xi32> to vector<16xi32>
    %swap3A_1018 = vector.shape_cast %mul3A_1012 : vector<16xi32> to vector<1x16xi32>
    tpu.vector_store %arg9[%swap3A_1014, %swap3A_1015], %swap3A_1018 {strides = array<i32>} : memref<4x128xi32, #tpu.memory_space<vmem>>, vector<1x16xi32>,
    %get3A_1019 = arith.constant 3 : i32
    %get3A_1020 = arith.index_cast %get3A_1019 : i32 to index
    %get3A_1021 = arith.constant 96 : index
    %get3A_1022 = tpu.vector_load %arg9[%get3A_1020, %get3A_1021] {strides = array<i32>} : memref<4x128xi32, #tpu.memory_space<vmem>>, vector<1x16xi32>,
    %get3A_1023 = vector.shape_cast %get3A_1022 : vector<1x16xi32> to vector<16xi32>
    %mul3A_1024 = arith.constant 4 : i32
    %mul3A_1025 = vector.broadcast %mul3A_1024 : i32 to vector<16xi32>
    %mul3A_1026 = arith.muli %get3A_1023, %mul3A_1025 : vector<16xi32>
    %swap3A_1027 = arith.constant 3 : i32
    %swap3A_1028 = arith.index_cast %swap3A_1027 : i32 to index
    %swap3A_1029 = arith.constant 96 : index
    %swap3A_1030 = tpu.vector_load %arg9[%swap3A_1028, %swap3A_1029] {strides = array<i32>} : memref<4x128xi32, #tpu.memory_space<vmem>>, vector<1x16xi32>,
    %swap3A_1031 = vector.shape_cast %swap3A_1030 : vector<1x16xi32> to vector<16xi32>
    %swap3A_1032 = vector.shape_cast %mul3A_1026 : vector<16xi32> to vector<1x16xi32>
    tpu.vector_store %arg9[%swap3A_1028, %swap3A_1029], %swap3A_1032 {strides = array<i32>} : memref<4x128xi32, #tpu.memory_space<vmem>>, vector<1x16xi32>,
    %get3A_1033 = arith.constant 3 : i32
    %get3A_1034 = arith.index_cast %get3A_1033 : i32 to index
    %get3A_1035 = arith.constant 112 : index
    %get3A_1036 = tpu.vector_load %arg9[%get3A_1034, %get3A_1035] {strides = array<i32>} : memref<4x128xi32, #tpu.memory_space<vmem>>, vector<1x16xi32>,
    %get3A_1037 = vector.shape_cast %get3A_1036 : vector<1x16xi32> to vector<16xi32>
    %mul3A_1038 = arith.constant 4 : i32
    %mul3A_1039 = vector.broadcast %mul3A_1038 : i32 to vector<16xi32>
    %mul3A_1040 = arith.muli %get3A_1037, %mul3A_1039 : vector<16xi32>
    %swap3A_1041 = arith.constant 3 : i32
    %swap3A_1042 = arith.index_cast %swap3A_1041 : i32 to index
    %swap3A_1043 = arith.constant 112 : index
    %swap3A_1044 = tpu.vector_load %arg9[%swap3A_1042, %swap3A_1043] {strides = array<i32>} : memref<4x128xi32, #tpu.memory_space<vmem>>, vector<1x16xi32>,
    %swap3A_1045 = vector.shape_cast %swap3A_1044 : vector<1x16xi32> to vector<16xi32>
    %swap3A_1046 = vector.shape_cast %mul3A_1040 : vector<16xi32> to vector<1x16xi32>
    tpu.vector_store %arg9[%swap3A_1042, %swap3A_1043], %swap3A_1046 {strides = array<i32>} : memref<4x128xi32, #tpu.memory_space<vmem>>, vector<1x16xi32>,
    %dma_start3A_1047 = arith.constant 0 : i32
    %dma_start3A_1048 = arith.constant 0 : i32
    %dma_start3A_1049 = tpu.memref_slice %arg8[%dma_start3A_1047, %dma_start3A_1048] : memref<4x128xi32, #tpu.memory_space<vmem>> -> memref<1x128xi32, #tpu.memory_space<vmem>>
    %dma_start3A_1050 = tpu.memref_squeeze %dma_start3A_1049 : memref<1x128xi32, #tpu.memory_space<vmem>> -> memref<128xi32, #tpu.memory_space<vmem>>
    %dma_start3A_1051 = arith.constant 0 : i32
    %dma_start3A_1052 = arith.constant 0 : i32
    %dma_start3A_1053 = tpu.memref_slice %arg4[%dma_start3A_1051, %dma_start3A_1052] : memref<400000x32xf32, #tpu.memory_space<hbm>> -> memref<400000x32xf32, #tpu.memory_space<hbm>>
    tpu.enqueue_indirect_dma source(%dma_start3A_1053 : memref<400000x32xf32, #tpu.memory_space<hbm>>) target(%arg10 : memref<128x32xf32, #tpu.memory_space<vmem>>) offsets(%dma_start3A_1050 : memref<128xi32, #tpu.memory_space<vmem>>) semaphore(%arg18 : memref<!tpu.dma_semaphore, #tpu.memory_space<semaphore_mem>>)
    %dma_start3A_1054 = arith.constant 1 : i32
    %dma_start3A_1055 = arith.constant 0 : i32
    %dma_start3A_1056 = tpu.memref_slice %arg8[%dma_start3A_1054, %dma_start3A_1055] : memref<4x128xi32, #tpu.memory_space<vmem>> -> memref<1x128xi32, #tpu.memory_space<vmem>>
    %dma_start3A_1057 = tpu.memref_squeeze %dma_start3A_1056 : memref<1x128xi32, #tpu.memory_space<vmem>> -> memref<128xi32, #tpu.memory_space<vmem>>
    %dma_start3A_1058 = arith.constant 0 : i32
    %dma_start3A_1059 = arith.constant 0 : i32
    %dma_start3A_1060 = tpu.memref_slice %arg4[%dma_start3A_1058, %dma_start3A_1059] : memref<400000x32xf32, #tpu.memory_space<hbm>> -> memref<400000x32xf32, #tpu.memory_space<hbm>>
    tpu.enqueue_indirect_dma source(%dma_start3A_1060 : memref<400000x32xf32, #tpu.memory_space<hbm>>) target(%arg11 : memref<128x32xf32, #tpu.memory_space<vmem>>) offsets(%dma_start3A_1057 : memref<128xi32, #tpu.memory_space<vmem>>) semaphore(%arg18 : memref<!tpu.dma_semaphore, #tpu.memory_space<semaphore_mem>>)
    %dma_start3A_1061 = arith.constant 2 : i32
    %dma_start3A_1062 = arith.constant 0 : i32
    %dma_start3A_1063 = tpu.memref_slice %arg8[%dma_start3A_1061, %dma_start3A_1062] : memref<4x128xi32, #tpu.memory_space<vmem>> -> memref<1x128xi32, #tpu.memory_space<vmem>>
    %dma_start3A_1064 = tpu.memref_squeeze %dma_start3A_1063 : memref<1x128xi32, #tpu.memory_space<vmem>> -> memref<128xi32, #tpu.memory_space<vmem>>
    %dma_start3A_1065 = arith.constant 0 : i32
    %dma_start3A_1066 = arith.constant 0 : i32
    %dma_start3A_1067 = tpu.memref_slice %arg4[%dma_start3A_1065, %dma_start3A_1066] : memref<400000x32xf32, #tpu.memory_space<hbm>> -> memref<400000x32xf32, #tpu.memory_space<hbm>>
    tpu.enqueue_indirect_dma source(%dma_start3A_1067 : memref<400000x32xf32, #tpu.memory_space<hbm>>) target(%arg12 : memref<128x32xf32, #tpu.memory_space<vmem>>) offsets(%dma_start3A_1064 : memref<128xi32, #tpu.memory_space<vmem>>) semaphore(%arg18 : memref<!tpu.dma_semaphore, #tpu.memory_space<semaphore_mem>>)
    %dma_start3A_1068 = arith.constant 3 : i32
    %dma_start3A_1069 = arith.constant 0 : i32
    %dma_start3A_1070 = tpu.memref_slice %arg8[%dma_start3A_1068, %dma_start3A_1069] : memref<4x128xi32, #tpu.memory_space<vmem>> -> memref<1x128xi32, #tpu.memory_space<vmem>>
    %dma_start3A_1071 = tpu.memref_squeeze %dma_start3A_1070 : memref<1x128xi32, #tpu.memory_space<vmem>> -> memref<128xi32, #tpu.memory_space<vmem>>
    %dma_start3A_1072 = arith.constant 0 : i32
    %dma_start3A_1073 = arith.constant 0 : i32
    %dma_start3A_1074 = tpu.memref_slice %arg4[%dma_start3A_1072, %dma_start3A_1073] : memref<400000x32xf32, #tpu.memory_space<hbm>> -> memref<400000x32xf32, #tpu.memory_space<hbm>>
    tpu.enqueue_indirect_dma source(%dma_start3A_1074 : memref<400000x32xf32, #tpu.memory_space<hbm>>) target(%arg13 : memref<128x32xf32, #tpu.memory_space<vmem>>) offsets(%dma_start3A_1071 : memref<128xi32, #tpu.memory_space<vmem>>) semaphore(%arg18 : memref<!tpu.dma_semaphore, #tpu.memory_space<semaphore_mem>>)
    %dma_start3A_1075 = arith.constant 0 : i32
    %dma_start3A_1076 = arith.constant 0 : i32
    %dma_start3A_1077 = tpu.memref_slice %arg9[%dma_start3A_1075, %dma_start3A_1076] : memref<4x128xi32, #tpu.memory_space<vmem>> -> memref<1x128xi32, #tpu.memory_space<vmem>>
    %dma_start3A_1078 = tpu.memref_squeeze %dma_start3A_1077 : memref<1x128xi32, #tpu.memory_space<vmem>> -> memref<128xi32, #tpu.memory_space<vmem>>
    %dma_start3A_1079 = arith.constant 0 : i32
    %dma_start3A_1080 = arith.constant 0 : i32
    %dma_start3A_1081 = tpu.memref_slice %arg5[%dma_start3A_1079, %dma_start3A_1080] : memref<40000x32xf32, #tpu.memory_space<hbm>> -> memref<40000x32xf32, #tpu.memory_space<hbm>>
    tpu.enqueue_indirect_dma source(%dma_start3A_1081 : memref<40000x32xf32, #tpu.memory_space<hbm>>) target(%arg14 : memref<128x32xf32, #tpu.memory_space<vmem>>) offsets(%dma_start3A_1078 : memref<128xi32, #tpu.memory_space<vmem>>) semaphore(%arg20 : memref<!tpu.dma_semaphore, #tpu.memory_space<semaphore_mem>>)
    %dma_start3A_1082 = arith.constant 1 : i32
    %dma_start3A_1083 = arith.constant 0 : i32
    %dma_start3A_1084 = tpu.memref_slice %arg9[%dma_start3A_1082, %dma_start3A_1083] : memref<4x128xi32, #tpu.memory_space<vmem>> -> memref<1x128xi32, #tpu.memory_space<vmem>>
    %dma_start3A_1085 = tpu.memref_squeeze %dma_start3A_1084 : memref<1x128xi32, #tpu.memory_space<vmem>> -> memref<128xi32, #tpu.memory_space<vmem>>
    %dma_start3A_1086 = arith.constant 0 : i32
    %dma_start3A_1087 = arith.constant 0 : i32
    %dma_start3A_1088 = tpu.memref_slice %arg5[%dma_start3A_1086, %dma_start3A_1087] : memref<40000x32xf32, #tpu.memory_space<hbm>> -> memref<40000x32xf32, #tpu.memory_space<hbm>>
    tpu.enqueue_indirect_dma source(%dma_start3A_1088 : memref<40000x32xf32, #tpu.memory_space<hbm>>) target(%arg15 : memref<128x32xf32, #tpu.memory_space<vmem>>) offsets(%dma_start3A_1085 : memref<128xi32, #tpu.memory_space<vmem>>) semaphore(%arg20 : memref<!tpu.dma_semaphore, #tpu.memory_space<semaphore_mem>>)
    %dma_start3A_1089 = arith.constant 2 : i32
    %dma_start3A_1090 = arith.constant 0 : i32
    %dma_start3A_1091 = tpu.memref_slice %arg9[%dma_start3A_1089, %dma_start3A_1090] : memref<4x128xi32, #tpu.memory_space<vmem>> -> memref<1x128xi32, #tpu.memory_space<vmem>>
    %dma_start3A_1092 = tpu.memref_squeeze %dma_start3A_1091 : memref<1x128xi32, #tpu.memory_space<vmem>> -> memref<128xi32, #tpu.memory_space<vmem>>
    %dma_start3A_1093 = arith.constant 0 : i32
    %dma_start3A_1094 = arith.constant 0 : i32
    %dma_start3A_1095 = tpu.memref_slice %arg5[%dma_start3A_1093, %dma_start3A_1094] : memref<40000x32xf32, #tpu.memory_space<hbm>> -> memref<40000x32xf32, #tpu.memory_space<hbm>>
    tpu.enqueue_indirect_dma source(%dma_start3A_1095 : memref<40000x32xf32, #tpu.memory_space<hbm>>) target(%arg16 : memref<128x32xf32, #tpu.memory_space<vmem>>) offsets(%dma_start3A_1092 : memref<128xi32, #tpu.memory_space<vmem>>) semaphore(%arg20 : memref<!tpu.dma_semaphore, #tpu.memory_space<semaphore_mem>>)
    %dma_start3A_1096 = arith.constant 3 : i32
    %dma_start3A_1097 = arith.constant 0 : i32
    %dma_start3A_1098 = tpu.memref_slice %arg9[%dma_start3A_1096, %dma_start3A_1097] : memref<4x128xi32, #tpu.memory_space<vmem>> -> memref<1x128xi32, #tpu.memory_space<vmem>>
    %dma_start3A_1099 = tpu.memref_squeeze %dma_start3A_1098 : memref<1x128xi32, #tpu.memory_space<vmem>> -> memref<128xi32, #tpu.memory_space<vmem>>
    %dma_start3A_1100 = arith.constant 0 : i32
    %dma_start3A_1101 = arith.constant 0 : i32
    %dma_start3A_1102 = tpu.memref_slice %arg5[%dma_start3A_1100, %dma_start3A_1101] : memref<40000x32xf32, #tpu.memory_space<hbm>> -> memref<40000x32xf32, #tpu.memory_space<hbm>>
    tpu.enqueue_indirect_dma source(%dma_start3A_1102 : memref<40000x32xf32, #tpu.memory_space<hbm>>) target(%arg17 : memref<128x32xf32, #tpu.memory_space<vmem>>) offsets(%dma_start3A_1099 : memref<128xi32, #tpu.memory_space<vmem>>) semaphore(%arg20 : memref<!tpu.dma_semaphore, #tpu.memory_space<semaphore_mem>>)
    %add3A_1103 = arith.constant 0 : i32
    %add3A_1104 = arith.addi %mul3A_2, %add3A_1103 : i32
    %dma_wait3A_1105 = arith.constant 0 : i32
    %dma_wait3A_1106 = arith.constant 0 : i32
    %dma_wait3A_1107 = tpu.memref_slice %arg8[%dma_wait3A_1105, %dma_wait3A_1106] : memref<4x128xi32, #tpu.memory_space<vmem>> -> memref<1x128xi32, #tpu.memory_space<vmem>>
    %dma_wait3A_1108 = tpu.memref_squeeze %dma_wait3A_1107 : memref<1x128xi32, #tpu.memory_space<vmem>> -> memref<128xi32, #tpu.memory_space<vmem>>
    %dma_wait3A_1109 = arith.constant 0 : i32
    %dma_wait3A_1110 = arith.constant 0 : i32
    %dma_wait3A_1111 = tpu.memref_slice %arg4[%dma_wait3A_1109, %dma_wait3A_1110] : memref<400000x32xf32, #tpu.memory_space<hbm>> -> memref<400000x32xf32, #tpu.memory_space<hbm>>
    tpu.wait_indirect_dma semaphore(%arg18 : memref<!tpu.dma_semaphore, #tpu.memory_space<semaphore_mem>>) src(%dma_wait3A_1111 : memref<400000x32xf32, #tpu.memory_space<hbm>>) dst(%arg10 : memref<128x32xf32, #tpu.memory_space<vmem>>)
    "tpu.region"() ({
      %run_scoped3A = tpu.sem_alloc : memref<!tpu.dma_semaphore, #tpu.memory_space<semaphore_mem>>
      %dma_start3A_1167 = arith.constant 0 : i32
      %dma_start3A_1168 = tpu.memref_slice %arg6[%add3A_1104, %dma_start3A_1167] : memref<16384x128xf32, #tpu.memory_space<hbm>> -> memref<128x32xf32, #tpu.memory_space<hbm>>
      %dma_start3A_1169 = arith.constant 0 : i32
      %dma_start3A_1170 = tpu.memref_slice %arg6[%add3A_1104, %dma_start3A_1169] : memref<16384x128xf32, #tpu.memory_space<hbm>> -> memref<128x32xf32, #tpu.memory_space<hbm>>
      tpu.enqueue_dma source(%arg10 : memref<128x32xf32, #tpu.memory_space<vmem>>) target(%dma_start3A_1170 : memref<128x32xf32, #tpu.memory_space<hbm>>) target_semaphore(%run_scoped3A : memref<!tpu.dma_semaphore, #tpu.memory_space<semaphore_mem>>)
      %dma_wait3A_1171 = arith.constant 0 : i32
      %dma_wait3A_1172 = tpu.memref_slice %arg6[%add3A_1104, %dma_wait3A_1171] : memref<16384x128xf32, #tpu.memory_space<hbm>> -> memref<128x32xf32, #tpu.memory_space<hbm>>
      %dma_wait3A_1173 = arith.constant 0 : i32
      %dma_wait3A_1174 = tpu.memref_slice %arg6[%add3A_1104, %dma_wait3A_1173] : memref<16384x128xf32, #tpu.memory_space<hbm>> -> memref<128x32xf32, #tpu.memory_space<hbm>>
      tpu.wait_dma2 semaphore(%run_scoped3A : memref<!tpu.dma_semaphore, #tpu.memory_space<semaphore_mem>>) src(%arg10 : memref<128x32xf32, #tpu.memory_space<vmem>>) dst(%dma_wait3A_1174 : memref<128x32xf32, #tpu.memory_space<hbm>>)
      tpu.yield
    }) : () -> ()
    %dma_wait3A_1112 = arith.constant 0 : i32
    %dma_wait3A_1113 = arith.constant 0 : i32
    %dma_wait3A_1114 = tpu.memref_slice %arg9[%dma_wait3A_1112, %dma_wait3A_1113] : memref<4x128xi32, #tpu.memory_space<vmem>> -> memref<1x128xi32, #tpu.memory_space<vmem>>
    %dma_wait3A_1115 = tpu.memref_squeeze %dma_wait3A_1114 : memref<1x128xi32, #tpu.memory_space<vmem>> -> memref<128xi32, #tpu.memory_space<vmem>>
    %dma_wait3A_1116 = arith.constant 0 : i32
    %dma_wait3A_1117 = arith.constant 0 : i32
    %dma_wait3A_1118 = tpu.memref_slice %arg5[%dma_wait3A_1116, %dma_wait3A_1117] : memref<40000x32xf32, #tpu.memory_space<hbm>> -> memref<40000x32xf32, #tpu.memory_space<hbm>>
    tpu.wait_indirect_dma semaphore(%arg20 : memref<!tpu.dma_semaphore, #tpu.memory_space<semaphore_mem>>) src(%dma_wait3A_1118 : memref<40000x32xf32, #tpu.memory_space<hbm>>) dst(%arg14 : memref<128x32xf32, #tpu.memory_space<vmem>>)
    "tpu.region"() ({
      %run_scoped3A = tpu.sem_alloc : memref<!tpu.dma_semaphore, #tpu.memory_space<semaphore_mem>>
      %dma_start3A_1167 = arith.constant 0 : i32
      %dma_start3A_1168 = tpu.memref_slice %arg7[%add3A_1104, %dma_start3A_1167] : memref<16384x128xf32, #tpu.memory_space<hbm>> -> memref<128x32xf32, #tpu.memory_space<hbm>>
      %dma_start3A_1169 = arith.constant 0 : i32
      %dma_start3A_1170 = tpu.memref_slice %arg7[%add3A_1104, %dma_start3A_1169] : memref<16384x128xf32, #tpu.memory_space<hbm>> -> memref<128x32xf32, #tpu.memory_space<hbm>>
      tpu.enqueue_dma source(%arg14 : memref<128x32xf32, #tpu.memory_space<vmem>>) target(%dma_start3A_1170 : memref<128x32xf32, #tpu.memory_space<hbm>>) target_semaphore(%run_scoped3A : memref<!tpu.dma_semaphore, #tpu.memory_space<semaphore_mem>>)
      %dma_wait3A_1171 = arith.constant 0 : i32
      %dma_wait3A_1172 = tpu.memref_slice %arg7[%add3A_1104, %dma_wait3A_1171] : memref<16384x128xf32, #tpu.memory_space<hbm>> -> memref<128x32xf32, #tpu.memory_space<hbm>>
      %dma_wait3A_1173 = arith.constant 0 : i32
      %dma_wait3A_1174 = tpu.memref_slice %arg7[%add3A_1104, %dma_wait3A_1173] : memref<16384x128xf32, #tpu.memory_space<hbm>> -> memref<128x32xf32, #tpu.memory_space<hbm>>
      tpu.wait_dma2 semaphore(%run_scoped3A : memref<!tpu.dma_semaphore, #tpu.memory_space<semaphore_mem>>) src(%arg14 : memref<128x32xf32, #tpu.memory_space<vmem>>) dst(%dma_wait3A_1174 : memref<128x32xf32, #tpu.memory_space<hbm>>)
      tpu.yield
    }) : () -> ()
    %add3A_1119 = arith.constant 128 : i32
    %add3A_1120 = arith.addi %mul3A_2, %add3A_1119 : i32
    %dma_wait3A_1121 = arith.constant 1 : i32
    %dma_wait3A_1122 = arith.constant 0 : i32
    %dma_wait3A_1123 = tpu.memref_slice %arg8[%dma_wait3A_1121, %dma_wait3A_1122] : memref<4x128xi32, #tpu.memory_space<vmem>> -> memref<1x128xi32, #tpu.memory_space<vmem>>
    %dma_wait3A_1124 = tpu.memref_squeeze %dma_wait3A_1123 : memref<1x128xi32, #tpu.memory_space<vmem>> -> memref<128xi32, #tpu.memory_space<vmem>>
    %dma_wait3A_1125 = arith.constant 0 : i32
    %dma_wait3A_1126 = arith.constant 0 : i32
    %dma_wait3A_1127 = tpu.memref_slice %arg4[%dma_wait3A_1125, %dma_wait3A_1126] : memref<400000x32xf32, #tpu.memory_space<hbm>> -> memref<400000x32xf32, #tpu.memory_space<hbm>>
    tpu.wait_indirect_dma semaphore(%arg18 : memref<!tpu.dma_semaphore, #tpu.memory_space<semaphore_mem>>) src(%dma_wait3A_1127 : memref<400000x32xf32, #tpu.memory_space<hbm>>) dst(%arg11 : memref<128x32xf32, #tpu.memory_space<vmem>>)
    "tpu.region"() ({
      %run_scoped3A = tpu.sem_alloc : memref<!tpu.dma_semaphore, #tpu.memory_space<semaphore_mem>>
      %dma_start3A_1167 = arith.constant 0 : i32
      %dma_start3A_1168 = tpu.memref_slice %arg6[%add3A_1120, %dma_start3A_1167] : memref<16384x128xf32, #tpu.memory_space<hbm>> -> memref<128x32xf32, #tpu.memory_space<hbm>>
      %dma_start3A_1169 = arith.constant 0 : i32
      %dma_start3A_1170 = tpu.memref_slice %arg6[%add3A_1120, %dma_start3A_1169] : memref<16384x128xf32, #tpu.memory_space<hbm>> -> memref<128x32xf32, #tpu.memory_space<hbm>>
      tpu.enqueue_dma source(%arg11 : memref<128x32xf32, #tpu.memory_space<vmem>>) target(%dma_start3A_1170 : memref<128x32xf32, #tpu.memory_space<hbm>>) target_semaphore(%run_scoped3A : memref<!tpu.dma_semaphore, #tpu.memory_space<semaphore_mem>>)
      %dma_wait3A_1171 = arith.constant 0 : i32
      %dma_wait3A_1172 = tpu.memref_slice %arg6[%add3A_1120, %dma_wait3A_1171] : memref<16384x128xf32, #tpu.memory_space<hbm>> -> memref<128x32xf32, #tpu.memory_space<hbm>>
      %dma_wait3A_1173 = arith.constant 0 : i32
      %dma_wait3A_1174 = tpu.memref_slice %arg6[%add3A_1120, %dma_wait3A_1173] : memref<16384x128xf32, #tpu.memory_space<hbm>> -> memref<128x32xf32, #tpu.memory_space<hbm>>
      tpu.wait_dma2 semaphore(%run_scoped3A : memref<!tpu.dma_semaphore, #tpu.memory_space<semaphore_mem>>) src(%arg11 : memref<128x32xf32, #tpu.memory_space<vmem>>) dst(%dma_wait3A_1174 : memref<128x32xf32, #tpu.memory_space<hbm>>)
      tpu.yield
    }) : () -> ()
    %dma_wait3A_1128 = arith.constant 1 : i32
    %dma_wait3A_1129 = arith.constant 0 : i32
    %dma_wait3A_1130 = tpu.memref_slice %arg9[%dma_wait3A_1128, %dma_wait3A_1129] : memref<4x128xi32, #tpu.memory_space<vmem>> -> memref<1x128xi32, #tpu.memory_space<vmem>>
    %dma_wait3A_1131 = tpu.memref_squeeze %dma_wait3A_1130 : memref<1x128xi32, #tpu.memory_space<vmem>> -> memref<128xi32, #tpu.memory_space<vmem>>
    %dma_wait3A_1132 = arith.constant 0 : i32
    %dma_wait3A_1133 = arith.constant 0 : i32
    %dma_wait3A_1134 = tpu.memref_slice %arg5[%dma_wait3A_1132, %dma_wait3A_1133] : memref<40000x32xf32, #tpu.memory_space<hbm>> -> memref<40000x32xf32, #tpu.memory_space<hbm>>
    tpu.wait_indirect_dma semaphore(%arg20 : memref<!tpu.dma_semaphore, #tpu.memory_space<semaphore_mem>>) src(%dma_wait3A_1134 : memref<40000x32xf32, #tpu.memory_space<hbm>>) dst(%arg15 : memref<128x32xf32, #tpu.memory_space<vmem>>)
    "tpu.region"() ({
      %run_scoped3A = tpu.sem_alloc : memref<!tpu.dma_semaphore, #tpu.memory_space<semaphore_mem>>
      %dma_start3A_1167 = arith.constant 0 : i32
      %dma_start3A_1168 = tpu.memref_slice %arg7[%add3A_1120, %dma_start3A_1167] : memref<16384x128xf32, #tpu.memory_space<hbm>> -> memref<128x32xf32, #tpu.memory_space<hbm>>
      %dma_start3A_1169 = arith.constant 0 : i32
      %dma_start3A_1170 = tpu.memref_slice %arg7[%add3A_1120, %dma_start3A_1169] : memref<16384x128xf32, #tpu.memory_space<hbm>> -> memref<128x32xf32, #tpu.memory_space<hbm>>
      tpu.enqueue_dma source(%arg15 : memref<128x32xf32, #tpu.memory_space<vmem>>) target(%dma_start3A_1170 : memref<128x32xf32, #tpu.memory_space<hbm>>) target_semaphore(%run_scoped3A : memref<!tpu.dma_semaphore, #tpu.memory_space<semaphore_mem>>)
      %dma_wait3A_1171 = arith.constant 0 : i32
      %dma_wait3A_1172 = tpu.memref_slice %arg7[%add3A_1120, %dma_wait3A_1171] : memref<16384x128xf32, #tpu.memory_space<hbm>> -> memref<128x32xf32, #tpu.memory_space<hbm>>
      %dma_wait3A_1173 = arith.constant 0 : i32
      %dma_wait3A_1174 = tpu.memref_slice %arg7[%add3A_1120, %dma_wait3A_1173] : memref<16384x128xf32, #tpu.memory_space<hbm>> -> memref<128x32xf32, #tpu.memory_space<hbm>>
      tpu.wait_dma2 semaphore(%run_scoped3A : memref<!tpu.dma_semaphore, #tpu.memory_space<semaphore_mem>>) src(%arg15 : memref<128x32xf32, #tpu.memory_space<vmem>>) dst(%dma_wait3A_1174 : memref<128x32xf32, #tpu.memory_space<hbm>>)
      tpu.yield
    }) : () -> ()
    %add3A_1135 = arith.constant 256 : i32
    %add3A_1136 = arith.addi %mul3A_2, %add3A_1135 : i32
    %dma_wait3A_1137 = arith.constant 2 : i32
    %dma_wait3A_1138 = arith.constant 0 : i32
    %dma_wait3A_1139 = tpu.memref_slice %arg8[%dma_wait3A_1137, %dma_wait3A_1138] : memref<4x128xi32, #tpu.memory_space<vmem>> -> memref<1x128xi32, #tpu.memory_space<vmem>>
    %dma_wait3A_1140 = tpu.memref_squeeze %dma_wait3A_1139 : memref<1x128xi32, #tpu.memory_space<vmem>> -> memref<128xi32, #tpu.memory_space<vmem>>
    %dma_wait3A_1141 = arith.constant 0 : i32
    %dma_wait3A_1142 = arith.constant 0 : i32
    %dma_wait3A_1143 = tpu.memref_slice %arg4[%dma_wait3A_1141, %dma_wait3A_1142] : memref<400000x32xf32, #tpu.memory_space<hbm>> -> memref<400000x32xf32, #tpu.memory_space<hbm>>
    tpu.wait_indirect_dma semaphore(%arg18 : memref<!tpu.dma_semaphore, #tpu.memory_space<semaphore_mem>>) src(%dma_wait3A_1143 : memref<400000x32xf32, #tpu.memory_space<hbm>>) dst(%arg12 : memref<128x32xf32, #tpu.memory_space<vmem>>)
    "tpu.region"() ({
      %run_scoped3A = tpu.sem_alloc : memref<!tpu.dma_semaphore, #tpu.memory_space<semaphore_mem>>
      %dma_start3A_1167 = arith.constant 0 : i32
      %dma_start3A_1168 = tpu.memref_slice %arg6[%add3A_1136, %dma_start3A_1167] : memref<16384x128xf32, #tpu.memory_space<hbm>> -> memref<128x32xf32, #tpu.memory_space<hbm>>
      %dma_start3A_1169 = arith.constant 0 : i32
      %dma_start3A_1170 = tpu.memref_slice %arg6[%add3A_1136, %dma_start3A_1169] : memref<16384x128xf32, #tpu.memory_space<hbm>> -> memref<128x32xf32, #tpu.memory_space<hbm>>
      tpu.enqueue_dma source(%arg12 : memref<128x32xf32, #tpu.memory_space<vmem>>) target(%dma_start3A_1170 : memref<128x32xf32, #tpu.memory_space<hbm>>) target_semaphore(%run_scoped3A : memref<!tpu.dma_semaphore, #tpu.memory_space<semaphore_mem>>)
      %dma_wait3A_1171 = arith.constant 0 : i32
      %dma_wait3A_1172 = tpu.memref_slice %arg6[%add3A_1136, %dma_wait3A_1171] : memref<16384x128xf32, #tpu.memory_space<hbm>> -> memref<128x32xf32, #tpu.memory_space<hbm>>
      %dma_wait3A_1173 = arith.constant 0 : i32
      %dma_wait3A_1174 = tpu.memref_slice %arg6[%add3A_1136, %dma_wait3A_1173] : memref<16384x128xf32, #tpu.memory_space<hbm>> -> memref<128x32xf32, #tpu.memory_space<hbm>>
      tpu.wait_dma2 semaphore(%run_scoped3A : memref<!tpu.dma_semaphore, #tpu.memory_space<semaphore_mem>>) src(%arg12 : memref<128x32xf32, #tpu.memory_space<vmem>>) dst(%dma_wait3A_1174 : memref<128x32xf32, #tpu.memory_space<hbm>>)
      tpu.yield
    }) : () -> ()
    %dma_wait3A_1144 = arith.constant 2 : i32
    %dma_wait3A_1145 = arith.constant 0 : i32
    %dma_wait3A_1146 = tpu.memref_slice %arg9[%dma_wait3A_1144, %dma_wait3A_1145] : memref<4x128xi32, #tpu.memory_space<vmem>> -> memref<1x128xi32, #tpu.memory_space<vmem>>
    %dma_wait3A_1147 = tpu.memref_squeeze %dma_wait3A_1146 : memref<1x128xi32, #tpu.memory_space<vmem>> -> memref<128xi32, #tpu.memory_space<vmem>>
    %dma_wait3A_1148 = arith.constant 0 : i32
    %dma_wait3A_1149 = arith.constant 0 : i32
    %dma_wait3A_1150 = tpu.memref_slice %arg5[%dma_wait3A_1148, %dma_wait3A_1149] : memref<40000x32xf32, #tpu.memory_space<hbm>> -> memref<40000x32xf32, #tpu.memory_space<hbm>>
    tpu.wait_indirect_dma semaphore(%arg20 : memref<!tpu.dma_semaphore, #tpu.memory_space<semaphore_mem>>) src(%dma_wait3A_1150 : memref<40000x32xf32, #tpu.memory_space<hbm>>) dst(%arg16 : memref<128x32xf32, #tpu.memory_space<vmem>>)
    "tpu.region"() ({
      %run_scoped3A = tpu.sem_alloc : memref<!tpu.dma_semaphore, #tpu.memory_space<semaphore_mem>>
      %dma_start3A_1167 = arith.constant 0 : i32
      %dma_start3A_1168 = tpu.memref_slice %arg7[%add3A_1136, %dma_start3A_1167] : memref<16384x128xf32, #tpu.memory_space<hbm>> -> memref<128x32xf32, #tpu.memory_space<hbm>>
      %dma_start3A_1169 = arith.constant 0 : i32
      %dma_start3A_1170 = tpu.memref_slice %arg7[%add3A_1136, %dma_start3A_1169] : memref<16384x128xf32, #tpu.memory_space<hbm>> -> memref<128x32xf32, #tpu.memory_space<hbm>>
      tpu.enqueue_dma source(%arg16 : memref<128x32xf32, #tpu.memory_space<vmem>>) target(%dma_start3A_1170 : memref<128x32xf32, #tpu.memory_space<hbm>>) target_semaphore(%run_scoped3A : memref<!tpu.dma_semaphore, #tpu.memory_space<semaphore_mem>>)
      %dma_wait3A_1171 = arith.constant 0 : i32
      %dma_wait3A_1172 = tpu.memref_slice %arg7[%add3A_1136, %dma_wait3A_1171] : memref<16384x128xf32, #tpu.memory_space<hbm>> -> memref<128x32xf32, #tpu.memory_space<hbm>>
      %dma_wait3A_1173 = arith.constant 0 : i32
      %dma_wait3A_1174 = tpu.memref_slice %arg7[%add3A_1136, %dma_wait3A_1173] : memref<16384x128xf32, #tpu.memory_space<hbm>> -> memref<128x32xf32, #tpu.memory_space<hbm>>
      tpu.wait_dma2 semaphore(%run_scoped3A : memref<!tpu.dma_semaphore, #tpu.memory_space<semaphore_mem>>) src(%arg16 : memref<128x32xf32, #tpu.memory_space<vmem>>) dst(%dma_wait3A_1174 : memref<128x32xf32, #tpu.memory_space<hbm>>)
      tpu.yield
    }) : () -> ()
    %add3A_1151 = arith.constant 384 : i32
    %add3A_1152 = arith.addi %mul3A_2, %add3A_1151 : i32
    %dma_wait3A_1153 = arith.constant 3 : i32
    %dma_wait3A_1154 = arith.constant 0 : i32
    %dma_wait3A_1155 = tpu.memref_slice %arg8[%dma_wait3A_1153, %dma_wait3A_1154] : memref<4x128xi32, #tpu.memory_space<vmem>> -> memref<1x128xi32, #tpu.memory_space<vmem>>
    %dma_wait3A_1156 = tpu.memref_squeeze %dma_wait3A_1155 : memref<1x128xi32, #tpu.memory_space<vmem>> -> memref<128xi32, #tpu.memory_space<vmem>>
    %dma_wait3A_1157 = arith.constant 0 : i32
    %dma_wait3A_1158 = arith.constant 0 : i32
    %dma_wait3A_1159 = tpu.memref_slice %arg4[%dma_wait3A_1157, %dma_wait3A_1158] : memref<400000x32xf32, #tpu.memory_space<hbm>> -> memref<400000x32xf32, #tpu.memory_space<hbm>>
    tpu.wait_indirect_dma semaphore(%arg18 : memref<!tpu.dma_semaphore, #tpu.memory_space<semaphore_mem>>) src(%dma_wait3A_1159 : memref<400000x32xf32, #tpu.memory_space<hbm>>) dst(%arg13 : memref<128x32xf32, #tpu.memory_space<vmem>>)
    "tpu.region"() ({
      %run_scoped3A = tpu.sem_alloc : memref<!tpu.dma_semaphore, #tpu.memory_space<semaphore_mem>>
      %dma_start3A_1167 = arith.constant 0 : i32
      %dma_start3A_1168 = tpu.memref_slice %arg6[%add3A_1152, %dma_start3A_1167] : memref<16384x128xf32, #tpu.memory_space<hbm>> -> memref<128x32xf32, #tpu.memory_space<hbm>>
      %dma_start3A_1169 = arith.constant 0 : i32
      %dma_start3A_1170 = tpu.memref_slice %arg6[%add3A_1152, %dma_start3A_1169] : memref<16384x128xf32, #tpu.memory_space<hbm>> -> memref<128x32xf32, #tpu.memory_space<hbm>>
      tpu.enqueue_dma source(%arg13 : memref<128x32xf32, #tpu.memory_space<vmem>>) target(%dma_start3A_1170 : memref<128x32xf32, #tpu.memory_space<hbm>>) target_semaphore(%run_scoped3A : memref<!tpu.dma_semaphore, #tpu.memory_space<semaphore_mem>>)
      %dma_wait3A_1171 = arith.constant 0 : i32
      %dma_wait3A_1172 = tpu.memref_slice %arg6[%add3A_1152, %dma_wait3A_1171] : memref<16384x128xf32, #tpu.memory_space<hbm>> -> memref<128x32xf32, #tpu.memory_space<hbm>>
      %dma_wait3A_1173 = arith.constant 0 : i32
      %dma_wait3A_1174 = tpu.memref_slice %arg6[%add3A_1152, %dma_wait3A_1173] : memref<16384x128xf32, #tpu.memory_space<hbm>> -> memref<128x32xf32, #tpu.memory_space<hbm>>
      tpu.wait_dma2 semaphore(%run_scoped3A : memref<!tpu.dma_semaphore, #tpu.memory_space<semaphore_mem>>) src(%arg13 : memref<128x32xf32, #tpu.memory_space<vmem>>) dst(%dma_wait3A_1174 : memref<128x32xf32, #tpu.memory_space<hbm>>)
      tpu.yield
    }) : () -> ()
    %dma_wait3A_1160 = arith.constant 3 : i32
    %dma_wait3A_1161 = arith.constant 0 : i32
    %dma_wait3A_1162 = tpu.memref_slice %arg9[%dma_wait3A_1160, %dma_wait3A_1161] : memref<4x128xi32, #tpu.memory_space<vmem>> -> memref<1x128xi32, #tpu.memory_space<vmem>>
    %dma_wait3A_1163 = tpu.memref_squeeze %dma_wait3A_1162 : memref<1x128xi32, #tpu.memory_space<vmem>> -> memref<128xi32, #tpu.memory_space<vmem>>
    %dma_wait3A_1164 = arith.constant 0 : i32
    %dma_wait3A_1165 = arith.constant 0 : i32
    %dma_wait3A_1166 = tpu.memref_slice %arg5[%dma_wait3A_1164, %dma_wait3A_1165] : memref<40000x32xf32, #tpu.memory_space<hbm>> -> memref<40000x32xf32, #tpu.memory_space<hbm>>
    tpu.wait_indirect_dma semaphore(%arg20 : memref<!tpu.dma_semaphore, #tpu.memory_space<semaphore_mem>>) src(%dma_wait3A_1166 : memref<40000x32xf32, #tpu.memory_space<hbm>>) dst(%arg17 : memref<128x32xf32, #tpu.memory_space<vmem>>)
    "tpu.region"() ({
      %run_scoped3A = tpu.sem_alloc : memref<!tpu.dma_semaphore, #tpu.memory_space<semaphore_mem>>
      %dma_start3A_1167 = arith.constant 0 : i32
      %dma_start3A_1168 = tpu.memref_slice %arg7[%add3A_1152, %dma_start3A_1167] : memref<16384x128xf32, #tpu.memory_space<hbm>> -> memref<128x32xf32, #tpu.memory_space<hbm>>
      %dma_start3A_1169 = arith.constant 0 : i32
      %dma_start3A_1170 = tpu.memref_slice %arg7[%add3A_1152, %dma_start3A_1169] : memref<16384x128xf32, #tpu.memory_space<hbm>> -> memref<128x32xf32, #tpu.memory_space<hbm>>
      tpu.enqueue_dma source(%arg17 : memref<128x32xf32, #tpu.memory_space<vmem>>) target(%dma_start3A_1170 : memref<128x32xf32, #tpu.memory_space<hbm>>) target_semaphore(%run_scoped3A : memref<!tpu.dma_semaphore, #tpu.memory_space<semaphore_mem>>)
      %dma_wait3A_1171 = arith.constant 0 : i32
      %dma_wait3A_1172 = tpu.memref_slice %arg7[%add3A_1152, %dma_wait3A_1171] : memref<16384x128xf32, #tpu.memory_space<hbm>> -> memref<128x32xf32, #tpu.memory_space<hbm>>
      %dma_wait3A_1173 = arith.constant 0 : i32
      %dma_wait3A_1174 = tpu.memref_slice %arg7[%add3A_1152, %dma_wait3A_1173] : memref<16384x128xf32, #tpu.memory_space<hbm>> -> memref<128x32xf32, #tpu.memory_space<hbm>>
      tpu.wait_dma2 semaphore(%run_scoped3A : memref<!tpu.dma_semaphore, #tpu.memory_space<semaphore_mem>>) src(%arg17 : memref<128x32xf32, #tpu.memory_space<vmem>>) dst(%dma_wait3A_1174 : memref<128x32xf32, #tpu.memory_space<hbm>>)
      tpu.yield
    }) : () -> ()
    return
  }
}

module attributes {stable_mosaic.version = 14 : i64} {
  func.func @_tp_body(%arg0: i32, %arg1: memref<32x16384xf32, #tpu.memory_space<vmem>>, %arg2: memref<32x16384xf32, #tpu.memory_space<vmem>>, %arg3: memref<16384x128xf32, #tpu.memory_space<vmem>>, %arg4: memref<16384x128xf32, #tpu.memory_space<vmem>>) attributes {dimension_semantics = [#tpu.dimension_semantics<arbitrary>], iteration_bounds = array<i64: 8>, scalar_prefetch = 0 : i64, scratch_operands = 0 : i64, tpu.core_type = #tpu.core_type<tc>, window_params = [{transform_indices = @transform_0, window_bounds = array<i64: 32, 16384>}, {transform_indices = @transform_1, window_bounds = array<i64: 32, 16384>}, {transform_indices = @transform_2, window_bounds = array<i64: 16384, 128>}, {transform_indices = @transform_3, window_bounds = array<i64: 16384, 128>}]} {
    %lt3A = arith.constant 7 : i32
    %lt3A_0 = arith.cmpi slt, %arg0, %lt3A : i32
    %convert_element_type3A = arith.extui %lt3A_0 : i1 to i32
    %cond3A = arith.constant 0 : i32
    %cond3A_1 = arith.cmpi ne, %convert_element_type3A, %cond3A : i32
    scf.if %cond3A_1 {
      %get3A = arith.constant 0 : index
      %get3A_6 = arith.constant 0 : index
      %get3A_7 = vector.load %arg1[%get3A, %get3A_6] : memref<32x16384xf32, #tpu.memory_space<vmem>>, vector<32x16384xf32>
      %iota3A = tpu.iota {dimensions = array<i32: 0>} : vector<32x32xi32>
      %iota3A_8 = tpu.iota {dimensions = array<i32: 1>} : vector<32x32xi32>
      %add3A = arith.constant 0 : i32
      %add3A_9 = vector.broadcast %add3A : i32 to vector<32x32xi32>
      %add3A_10 = arith.addi %iota3A, %add3A_9 : vector<32x32xi32>
      %eq3A_11 = arith.cmpi eq, %add3A_10, %iota3A_8 : vector<32x32xi32>
      %convert_element_type3A_12 = arith.extui %eq3A_11 : vector<32x32xi1> to vector<32x32xi32>
      %convert_element_type3A_13 = arith.sitofp %convert_element_type3A_12 : vector<32x32xi32> to vector<32x32xf32>
      %dot_general3A = arith.constant dense<0.000000e+00> : vector<16384x32xf32>
      %dot_general3A_14 = tpu.matmul %get3A_7, %convert_element_type3A_13, %dot_general3A {dimension_numbers = #tpu.dot_dimension_numbers<[0], [0], [1], [1], [0, 1, 1, 1], [], []>, transpose_lhs_hint = false} : vector<32x16384xf32>, vector<32x32xf32>, vector<16384x32xf32> -> vector<16384x32xf32>
      %broadcast_in_dim3A = arith.constant 0.000000e+00 : f32
      %broadcast_in_dim3A_15 = vector.broadcast %broadcast_in_dim3A : f32 to vector<16384x96xf32>
      %concatenate3A = tpu.concatenate %dot_general3A_14, %broadcast_in_dim3A_15 in 1 : vector<16384x32xf32>, vector<16384x96xf32> -> vector<16384x128xf32>
      %swap3A = arith.constant 0 : index
      %swap3A_16 = arith.constant 0 : index
      %swap3A_17 = vector.load %arg3[%swap3A, %swap3A_16] : memref<16384x128xf32, #tpu.memory_space<vmem>>, vector<16384x128xf32>
      tpu.vector_store %arg3[%swap3A, %swap3A_16], %concatenate3A {strides = array<i32>} : memref<16384x128xf32, #tpu.memory_space<vmem>>, vector<16384x128xf32>,
    } else {
    }
    %eq3A = arith.constant 7 : i32
    %eq3A_2 = arith.cmpi eq, %arg0, %eq3A : i32
    %convert_element_type3A_3 = arith.extui %eq3A_2 : i1 to i32
    %cond3A_4 = arith.constant 0 : i32
    %cond3A_5 = arith.cmpi ne, %convert_element_type3A_3, %cond3A_4 : i32
    scf.if %cond3A_5 {
      %get3A = arith.constant 0 : index
      %get3A_6 = arith.constant 0 : index
      %get3A_7 = vector.load %arg2[%get3A, %get3A_6] : memref<32x16384xf32, #tpu.memory_space<vmem>>, vector<32x16384xf32>
      %iota3A = tpu.iota {dimensions = array<i32: 0>} : vector<32x32xi32>
      %iota3A_8 = tpu.iota {dimensions = array<i32: 1>} : vector<32x32xi32>
      %add3A = arith.constant 0 : i32
      %add3A_9 = vector.broadcast %add3A : i32 to vector<32x32xi32>
      %add3A_10 = arith.addi %iota3A, %add3A_9 : vector<32x32xi32>
      %eq3A_11 = arith.cmpi eq, %add3A_10, %iota3A_8 : vector<32x32xi32>
      %convert_element_type3A_12 = arith.extui %eq3A_11 : vector<32x32xi1> to vector<32x32xi32>
      %convert_element_type3A_13 = arith.sitofp %convert_element_type3A_12 : vector<32x32xi32> to vector<32x32xf32>
      %dot_general3A = arith.constant dense<0.000000e+00> : vector<16384x32xf32>
      %dot_general3A_14 = tpu.matmul %get3A_7, %convert_element_type3A_13, %dot_general3A {dimension_numbers = #tpu.dot_dimension_numbers<[0], [0], [1], [1], [0, 1, 1, 1], [], []>, transpose_lhs_hint = false} : vector<32x16384xf32>, vector<32x32xf32>, vector<16384x32xf32> -> vector<16384x32xf32>
      %broadcast_in_dim3A = arith.constant 0.000000e+00 : f32
      %broadcast_in_dim3A_15 = vector.broadcast %broadcast_in_dim3A : f32 to vector<16384x96xf32>
      %concatenate3A = tpu.concatenate %dot_general3A_14, %broadcast_in_dim3A_15 in 1 : vector<16384x32xf32>, vector<16384x96xf32> -> vector<16384x128xf32>
      %swap3A = arith.constant 0 : index
      %swap3A_16 = arith.constant 0 : index
      %swap3A_17 = vector.load %arg4[%swap3A, %swap3A_16] : memref<16384x128xf32, #tpu.memory_space<vmem>>, vector<16384x128xf32>
      tpu.vector_store %arg4[%swap3A, %swap3A_16], %concatenate3A {strides = array<i32>} : memref<16384x128xf32, #tpu.memory_space<vmem>>, vector<16384x128xf32>,
    } else {
    }
    return
  }
  func.func @transform_0(%arg0: i32) -> (i32, i32) {
    %min3A = arith.constant 6 : i32
    %min3A_0 = arith.minsi %arg0, %min3A : i32
    %c0_i32 = arith.constant 0 : i32
    %c0_i32_1 = arith.constant 0 : i32
    return %c0_i32, %min3A_0 : i32, i32
  }
  func.func @transform_1(%arg0: i32) -> (i32, i32) {
    %c0_i32 = arith.constant 0 : i32
    %c0_i32_0 = arith.constant 0 : i32
    %c0_i32_1 = arith.constant 0 : i32
    return %c0_i32, %c0_i32_0 : i32, i32
  }
  func.func @transform_2(%arg0: i32) -> (i32, i32) {
    %min3A = arith.constant 6 : i32
    %min3A_0 = arith.minsi %arg0, %min3A : i32
    %c0_i32 = arith.constant 0 : i32
    %c0_i32_1 = arith.constant 0 : i32
    return %min3A_0, %c0_i32 : i32, i32
  }
  func.func @transform_3(%arg0: i32) -> (i32, i32) {
    %c0_i32 = arith.constant 0 : i32
    %c0_i32_0 = arith.constant 0 : i32
    %c0_i32_1 = arith.constant 0 : i32
    return %c0_i32, %c0_i32_0 : i32, i32
  }
}

module attributes {stable_mosaic.version = 14 : i64} {
  func.func @_mm_body(%arg0: i32, %arg1: memref<8192x128xf32, #tpu.memory_space<vmem>>, %arg2: memref<8192x128xf32, #tpu.memory_space<vmem>>, %arg3: memref<32x32xf32, #tpu.memory_space<vmem>>, %arg4: memref<32x32xf32, #tpu.memory_space<vmem>>, %arg5: memref<32x1xf32, #tpu.memory_space<vmem>>, %arg6: memref<32x8192xf32, #tpu.memory_space<vmem>>) attributes {dimension_semantics = [#tpu.dimension_semantics<arbitrary>], iteration_bounds = array<i64: 2>, scalar_prefetch = 0 : i64, scratch_operands = 0 : i64, tpu.core_type = #tpu.core_type<tc>, window_params = [{transform_indices = @transform_0, window_bounds = array<i64: 8192, 128>}, {transform_indices = @transform_1, window_bounds = array<i64: 8192, 128>}, {pipeline_mode = #tpu.pipeline_mode<synchronous>, transform_indices = @transform_2, window_bounds = array<i64: 32, 32>}, {pipeline_mode = #tpu.pipeline_mode<synchronous>, transform_indices = @transform_3, window_bounds = array<i64: 32, 32>}, {pipeline_mode = #tpu.pipeline_mode<synchronous>, transform_indices = @transform_4, window_bounds = array<i64: 32, 1>}, {transform_indices = @transform_5, window_bounds = array<i64: 32, 8192>}]} {
    %get3A = arith.constant 0 : index
    %get3A_0 = arith.constant 0 : index
    %get3A_1 = vector.load %arg1[%get3A, %get3A_0] : memref<8192x128xf32, #tpu.memory_space<vmem>>, vector<8192x32xf32>
    %get3A_2 = arith.constant 0 : index
    %get3A_3 = arith.constant 0 : index
    %get3A_4 = vector.load %arg2[%get3A_2, %get3A_3] : memref<8192x128xf32, #tpu.memory_space<vmem>>, vector<8192x32xf32>
    %get3A_5 = arith.constant 0 : index
    %get3A_6 = arith.constant 0 : index
    %get3A_7 = vector.load %arg3[%get3A_5, %get3A_6] : memref<32x32xf32, #tpu.memory_space<vmem>>, vector<32x32xf32>
    %dot_general3A = arith.constant dense<0.000000e+00> : vector<32x8192xf32>
    %dot_general3A_8 = tpu.matmul %get3A_7, %get3A_1, %dot_general3A {dimension_numbers = #tpu.dot_dimension_numbers<[0], [1], [1], [0], [0, 1, 1, 0], [], []>, transpose_lhs_hint = false} : vector<32x32xf32>, vector<8192x32xf32>, vector<32x8192xf32> -> vector<32x8192xf32>
    %get3A_9 = arith.constant 0 : index
    %get3A_10 = arith.constant 0 : index
    %get3A_11 = vector.load %arg4[%get3A_9, %get3A_10] : memref<32x32xf32, #tpu.memory_space<vmem>>, vector<32x32xf32>
    %dot_general3A_12 = arith.constant dense<0.000000e+00> : vector<32x8192xf32>
    %dot_general3A_13 = tpu.matmul %get3A_11, %get3A_4, %dot_general3A_12 {dimension_numbers = #tpu.dot_dimension_numbers<[0], [1], [1], [0], [0, 1, 1, 0], [], []>, transpose_lhs_hint = false} : vector<32x32xf32>, vector<8192x32xf32>, vector<32x8192xf32> -> vector<32x8192xf32>
    %add3A = arith.addf %dot_general3A_8, %dot_general3A_13 : vector<32x8192xf32>
    %get3A_14 = arith.constant 0 : index
    %get3A_15 = arith.constant 0 : index
    %get3A_16 = vector.load %arg5[%get3A_14, %get3A_15] : memref<32x1xf32, #tpu.memory_space<vmem>>, vector<32x1xf32>
    %add3A_17 = vector.broadcast %get3A_16 : vector<32x1xf32> to vector<32x8192xf32>
    %add3A_18 = arith.addf %add3A, %add3A_17 : vector<32x8192xf32>
    %swap3A = arith.constant 0 : index
    %swap3A_19 = arith.constant 0 : index
    %swap3A_20 = vector.load %arg6[%swap3A, %swap3A_19] : memref<32x8192xf32, #tpu.memory_space<vmem>>, vector<32x8192xf32>
    tpu.vector_store %arg6[%swap3A, %swap3A_19], %add3A_18 {strides = array<i32>} : memref<32x8192xf32, #tpu.memory_space<vmem>>, vector<32x8192xf32>,
    return
  }
  func.func @transform_0(%arg0: i32) -> (i32, i32) {
    %c0_i32 = arith.constant 0 : i32
    %c0_i32_0 = arith.constant 0 : i32
    return %arg0, %c0_i32 : i32, i32
  }
  func.func @transform_1(%arg0: i32) -> (i32, i32) {
    %c0_i32 = arith.constant 0 : i32
    %c0_i32_0 = arith.constant 0 : i32
    return %arg0, %c0_i32 : i32, i32
  }
  func.func @transform_2(%arg0: i32) -> (i32, i32) {
    %c0_i32 = arith.constant 0 : i32
    %c0_i32_0 = arith.constant 0 : i32
    %c0_i32_1 = arith.constant 0 : i32
    return %c0_i32, %c0_i32_0 : i32, i32
  }
  func.func @transform_3(%arg0: i32) -> (i32, i32) {
    %c0_i32 = arith.constant 0 : i32
    %c0_i32_0 = arith.constant 0 : i32
    %c0_i32_1 = arith.constant 0 : i32
    return %c0_i32, %c0_i32_0 : i32, i32
  }
  func.func @transform_4(%arg0: i32) -> (i32, i32) {
    %c0_i32 = arith.constant 0 : i32
    %c0_i32_0 = arith.constant 0 : i32
    %c0_i32_1 = arith.constant 0 : i32
    return %c0_i32, %c0_i32_0 : i32, i32
  }
  func.func @transform_5(%arg0: i32) -> (i32, i32) {
    %c0_i32 = arith.constant 0 : i32
    %c0_i32_0 = arith.constant 0 : i32
    return %c0_i32, %arg0 : i32, i32
  }
}

</mosaic_0001>

<sc_bundles>
// kernel: kernel.5.cloned.1.call-start
scs
__scs_entry_jumppad:
0x0: {  	(pc) =	sbr.rel $0x88, $3  }
0x1: {  	(tag) =	ssettag $0x0;
	lr =	simm.s32 $0x1  }
0x2: {  	[smem:$0x3F9B] =	sst lr;
	_ =	strace $0xD0000000  }
0x3: {  	_ = 	snop  }
0x4: {  	_ = 	snop  }
0x5: {  	_ = 	snop  }
0x6: {  	_ = 	snop  }
0x7: {  	_ = 	snop  }
__scs_overlays_trampoline_lowered:
0x8: {  	[smem:$0x3FAA] =	sst s0  }
0x9: {  	[smem:$0x3FAB] =	sst s1  }
0xa: {  	[smem:$0x3FAC] =	sst s2  }
0xb: {  	[smem:$0x3FAD] =	sst s3  }
0xc: {  	[smem:$0x3FAE] =	sst s4  }
0xd: {  	[smem:$0x3FAF] =	sst s5  }
0xe: {  	[smem:$0x3FB0] =	sst s6  }
0xf: {  	[smem:$0x3FB1] =	sst s7  }
0x10: {  	[smem:$0x3FB2] =	sst s8  }
0x11: {  	[smem:$0x3FB3] =	sst s9;
	s0 =	simm.s32 @!p0 $0x0  }
0x12: {  	s1 =	sld [smem:$0x3F99];
	s0 =	simm.s32 @p0 $0x1  }
0x13: {  	[smem:$0x3FB4] =	sst s0;
	s0 =	simm.s32 @!p1 $0x0  }
0x14: {  	s2 =	sld [smem:$0x3F98];
	s0 =	simm.s32 @p1 $0x1  }
0x15: {  	[smem:$0x3FB5] =	sst s0;
	s0 =	simm.s32 @!p2 $0x0  }
0x16: {  	s3 =	sld [smem:$0x3FDB];
	s0 =	simm.s32 @p2 $0x1  }
0x17: {  	s4 =	simm.s32 $0x1BF5;
	[smem:$0x3FB7] =	sst s0  }
0x18: {  	s0 =	sld [smem:$0x3F9A];
	_ =	swait.ge [sflag:s4], $0x0  }
0x19: {  	s7 =	sld [smem:$0x3F9B]  }
0x1a: {  	s8 =	sadd.s32 $0xFFFFE003, lr  }
0x1b: {  	s9 =	sadd.s32 $0xFFFFFEF7, lr;
	s5 =	simm.s32 $0xFFFFFFFF;
	p2 =	slt.u32 s8, $0xFFFFF086  }
0x1c: {  	p1 =	slt.u32 s9, $0xF7A;
	s5 =	simm.s32 @!p2 $0x0  }
0x1d: {  	s5 =	simm.s32 @p1 $0x1;
	p0 =	seq.s32 s7, s2  }
0x1e: {  	s7 =	smul.u32 @!p0 $0xF7A, s2;
	p2 =	seq.s32 @!p0 s5, $0x0  }
0x1f: {  	s9 =	smul.u32 $0xF7A, s1;
	s8 =	simm.s32 @!p0 $0x1BF5;
	p2 =	por !p2, p0  }
0x20: {  	[sflag:s8] =	ssyncset.s32 @!p0 $0xFFFFF086;
	s6 =	sadd.s32 @!p0 s3, s7;
	s7 =	simm.s32 @!p0 $0x108  }
0x21: {  	s3 =	sadd.s32 s3, s9;
	s6 =	sadd.s32 @!p0 $0x88, s6;
	s7 =	simm.s32 @p2 $0x1082  }
0x22: {  	[simem:s7], [sflag:s8] =	dma.local @!p0 [hbm:s6], $0xF7A  }
0x23: {  	s9 =	sor.u32 $0xD0000000, s2;
	s6 =	simm.s32 $0x108;
	_ =	swait.ge @!p0 [sflag:s8], $0x0  }
0x24: {  	s3 =	sadd.s32 $0x88, s3;
	s6 =	simm.s32 @!p1 $0x1082;
	[sflag:s4] =	ssyncset.s32 $0xFFFFF086  }
0x25: {  	[simem:s6], [sflag:s4] =	dma.local [hbm:s3], $0xF7A  }
0x26: {  	[smem:$0x3F9B] =	sst s1;
	(tag) =	ssettag s2;
	_ =	strace s9  }
0x27: {  	s1 =	sld [smem:$0x3FAB]  }
0x28: {  	s2 =	sld [smem:$0x3FAC]  }
0x29: {  	s4 =	sld [smem:$0x3FAE]  }
0x2a: {  	p0 =	seq.s32 s5, $0x0;
	s5 =	sld [smem:$0x3FAF]  }
0x2b: {  	s6 =	sld [smem:$0x3FB0]  }
0x2c: {  	s7 =	sld [smem:$0x3FB1]  }
0x2d: {  	s3 =	simm.s32 $0x108;
	s8 =	sld [smem:$0x3FB2]  }
0x2e: {  	s3 =	simm.s32 @!p0 $0x1082;
	s9 =	sld [smem:$0x3FB3]  }
0x2f: {  	lr =	sadd.s32 s0, s3;
	s0 =	sld [smem:$0x3FAA]  }
0x30: {  	s3 =	sld [smem:$0x3FAD]  }
0x31: {  	[smem:$0x3FB6] =	sst s10  }
0x32: {  	s10 =	sld [smem:$0x3FB4];
	_ =	sdelay $0x3  }
0x33: {  	p0 =	seq.s32 s10, $0x1;
	s10 =	sld [smem:$0x3FB6];
	_ =	sdelay $0x3  }
0x34: {  	[smem:$0x3FB6] =	sst s10  }
0x35: {  	s10 =	sld [smem:$0x3FB5];
	_ =	sdelay $0x3  }
0x36: {  	p1 =	seq.s32 s10, $0x1;
	s10 =	sld [smem:$0x3FB6];
	_ =	sdelay $0x3  }
0x37: {  	[smem:$0x3FB6] =	sst s10  }
0x38: {  	s10 =	sld [smem:$0x3FB7]  }
0x39: {  	_ = 	snop;
	(pc) =	sbr.ind lr, $3  }
0x3a: {  	_ = 	snop  }
0x3b: {  	_ = 	snop  }
0x3c: {  	p2 =	seq.s32 s10, $0x1;
	s10 =	sld [smem:$0x3FB6]  }
0x3d: {  	_ =	shalt  }
0x3e: {  	_ =	shalt  }
0x3f: {  	_ =	shalt  }
0x40: {  	_ =	shalt  }
0x41: {  	_ =	shalt  }
0x42: {  	_ =	shalt  }
0x43: {  	_ =	shalt  }
0x44: {  	_ =	shalt  }
0x45: {  	_ =	shalt  }
0x46: {  	_ =	shalt  }
0x47: {  	_ =	shalt  }
0x48: {  	_ =	shalt  }
0x49: {  	_ =	shalt  }
0x4a: {  	_ =	shalt  }
0x4b: {  	_ =	shalt  }
0x4c: {  	_ =	shalt  }
0x4d: {  	_ =	shalt  }
0x4e: {  	_ =	shalt  }
0x4f: {  	_ =	shalt  }
0x50: {  	_ =	shalt  }
0x51: {  	_ =	shalt  }
0x52: {  	_ =	shalt  }
0x53: {  	_ =	shalt  }
0x54: {  	_ =	shalt  }
0x55: {  	_ =	shalt  }
0x56: {  	_ =	shalt  }
0x57: {  	_ =	shalt  }
0x58: {  	_ =	shalt  }
0x59: {  	_ =	shalt  }
0x5a: {  	_ =	shalt  }
0x5b: {  	_ =	shalt  }
0x5c: {  	_ =	shalt  }
0x5d: {  	_ =	shalt  }
0x5e: {  	_ =	shalt  }
0x5f: {  	_ =	shalt  }
0x60: {  	_ =	shalt  }
0x61: {  	_ =	shalt  }
0x62: {  	_ =	shalt  }
0x63: {  	_ =	shalt  }
0x64: {  	_ =	shalt  }
0x65: {  	_ =	shalt  }
0x66: {  	_ =	shalt  }
0x67: {  	_ =	shalt  }
0x68: {  	_ =	shalt  }
0x69: {  	_ =	shalt  }
0x6a: {  	_ =	shalt  }
0x6b: {  	_ =	shalt  }
0x6c: {  	_ =	shalt  }
0x6d: {  	_ =	shalt  }
0x6e: {  	_ =	shalt  }
0x6f: {  	_ =	shalt  }
0x70: {  	_ =	shalt  }
0x71: {  	_ =	shalt  }
0x72: {  	_ =	shalt  }
0x73: {  	_ =	shalt  }
0x74: {  	_ =	shalt  }
0x75: {  	_ =	shalt  }
0x76: {  	_ =	shalt  }
0x77: {  	_ =	shalt  }
0x78: {  	_ =	shalt  }
0x79: {  	_ =	shalt  }
0x7a: {  	_ =	shalt  }
0x7b: {  	_ =	shalt  }
0x7c: {  	_ =	shalt  }
0x7d: {  	_ =	shalt  }
0x7e: {  	_ =	shalt  }
0x7f: {  	_ =	shalt  }
0x80: {  	_ =	shalt  }
0x81: {  	_ =	shalt  }
0x82: {  	_ =	shalt  }
0x83: {  	_ =	shalt  }
0x84: {  	_ =	shalt  }
0x85: {  	_ =	shalt  }
0x86: {  	_ =	shalt  }
0x87: {  	_ =	shalt  }
.Lfunc_end0:
.L_simem_size_0:
called_computation_lowered:
.L_overlay_start_0:
0x88: {  	s2 =	sld [smem:$0x3FD9]  }
0x89: {  	s3 =	sld [smem:$0x3FFE];
	_ =	sdelay $0x1  }
0x8a: {  	s1 =	srdreg.scid  }
0x8b: {  	s0 =	sand.u32 $0x1, s1  }
0x8c: {  	s17 =	sshll.u32 s0, $0xA;
	s2 =	sadd.s32 s3, s2  }
0x8d: {  	s2 =	sadd.s32 s2, s17  }
0x8e: {  	[smem:$0x3FC2] =	sst s2  }
0x8f: {  	_ = 	snop  }
0x90: {  	s2 =	sld [smem:$0x3FC9]  }
0x91: {  	s18 =	sld [smem:$0x3FC8];
	(tm) =	ssettm $0x1  }
0x92: {  	s4 =	sld [smem:$0x3FFB];
	_ =	sdelay $0x3  }
0x93: {  	_ =	strace s4  }
0x94: {  	s4 =	sld [smem:$0x3FFC];
	_ =	sdelay $0x3  }
0x95: {  	_ =	strace s4  }
0x96: {  	s4 =	sld [smem:$0x3FFD];
	_ =	sdelay $0x3  }
0x97: {  	_ =	strace s4  }
0x98: {  	_ =	strace $0x8FFFFFFF  }
0x99: {  	s19 =	sld [smem:$0x3FDB];
	_ =	sdelay $0x1  }
0x9a: {  	s5 =	simm.s32 $_scs_section_size  }
0x9b: {  	s6 =	simm.s32 $_size__tile_overlayer_lowered;
	s7 =	simm.s32 $_tile_overlayer_lowered  }
0x9c: {  	s22 =	simm.s32 $0x1BFF;
	s21 =	sshll.u32 s7, $0x1;
	s4 =	sadd.s32 s5, s19  }
0x9d: {  	s8 =	simm.s32 $0x0;
	s20 =	sshll.u32 s6, $0x1;
	s6 =	sadd.s32 s21, s4  }
0x9e: {  	[timem:s8], [sflag:s22] =	dma.local [hbm:s6], s20  }
0x9f: {  	_ =	swait.ge [sflag:s22], s20  }
0xa0: {  	s5 =	ssub.s32 $0x0, s20;
	[sflag:s22] =	ssyncset.done $0x0  }
0xa1: {  	[sflag:s22] =	ssyncadd.s32 s5;
	_ =	sdelay $0x1  }
0xa2: {  	s23 =	simm.s32 $0x1B8B  }
0xa3: {  	_ =	swait.ge [sflag:s23], $0x1  }
0xa4: {  	[sflag:s23] =	ssyncset.done $0x0  }
0xa5: {  	s25 =	simm.s32 $0x1B8E;
	s24 =	sld [smem:$0x3FFE];
	[sflag:s23] =	ssyncadd.s32 $0xFFFFFFFF  }
0xa6: {  	s26 =	simm.s32 $execute0_lowered;
	[smem:$0x3FD2] =	sst s25  }
0xa7: {  	s6 =	sshll.u32 s26, $0x1;
	_ =	strace $0x80000046;
	[dreg:$0x1] =	wrdreg $0xFFFFFFFF  }
0xa8: {  	s28 =	simm.s32 $_size_execute0_lowered;
	s4 =	sadd.s32 s4, s6;
	[dreg:$0x0] =	wrdreg $0x0  }
0xa9: {  	s6 =	sshll.u32 s28, $0x1;
	[dreg:$0x2] =	wrdreg s4  }
0xaa: {  	[dreg:$0x3] =	wrdreg s6  }
0xab: {  	[dreg:$0x4] =	wrdreg $0xC0  }
0xac: {  	_ =	task [dreg:s8], $0x5FFFF  }
0xad: {  	[dreg:$0x1] =	wrdreg $0xFFFFFFFF  }
0xae: {  	[dreg:$0x0] =	wrdreg $0x60  }
0xaf: {  	[dreg:$0x2] =	wrdreg s2  }
0xb0: {  	[dreg:$0x3] =	wrdreg s18  }
0xb1: {  	[dreg:$0x4] =	wrdreg s24  }
0xb2: {  	[dreg:$0x5] =	wrdreg $0x9  }
0xb3: {  	_ =	task.clear_ibuf [dreg:s8], $0x6FFFF;
	_ =	strace $0x90000046  }
0xb4: {  	s29 =	simm.s32 $0x9;
	_ =	strace $0x80000048  }
0xb5: {  	_ =	swait.ge [sflag:s29], $0x1  }
0xb6: {  	[sflag:s29] =	ssyncadd.s32 $0xFFFFFFFF  }
0xb7: {  	_ =	strace $0x90000048  }
0xb8: {  	_ =	sfence  }
0xb9: {  	s30 =	sld [smem:$0x0];
	_ =	sdelay $0x2  }
0xba: {  	s31 =	sshll.u32 s1, $0xD;
	s1 =	sshrl.u32 s1, $0x2  }
0xbb: {  	s3 =	sand.u32 $0x4000, s31;
	s1 =	sadd.s32 s1, s30  }
0xbc: {  	s0 =	sor.u32 s3, s0;
	s1 =	sshll.u32 s1, $0x11  }
0xbd: {  	s0 =	sor.u32 s1, s0  }
0xbe: {  	s0 =	sadd.s32 $0x8F2B, s0  }
0xbf: {  	[sflag:s0] =	ssyncadd.remote.s32 $0x1  }
0xc0: {  	_ =	sfence.sel $0xFFFF  }
0xc1: {  	[dreg:$0x0] =	wrdreg $0xFFFFFFFF;
	(pc) =	sbr.abs _section_cstart, $3  }
0xc2: {  	[dreg:$0x1] =	wrdreg $0xFFFFFFFF  }
0xc3: {  	_ =	task.clear_ibuf [dreg:s8], $0x2FFFF;
	_ =	strace $0x9FFFFFFF  }
0xc4: {  	(tm) =	ssettm $0x7FFFFFFF  }
0xc5: {  	_ =	shalt  }
tec
execute0_lowered:
.L_overlay_start_1:
0x0: {  	(tag) =	ssettag $0x1  }
0x1: {  	s0 =	rddreg [dreg:$0x0]  }
0x2: {  	s5 =	rddreg [dreg:$0x1]  }
0x3: {  	s6 =	rddreg [dreg:$0x2]  }
0x4: {  	s2 =	simm.s32 $0x0;
	s3 =	srdreg.scid;
	s1 =	stileid.u32  }
0x5: {  	s28 =	simm.s32 $0x6400;
	s29 =	simm.s32 $0x7400;
	s30 =	simm.s32 $0x20  }
0x6: {  	s31 =	simm.s32 $0x4;
	[smem:$0x7FF] =	sst s2;
	s8 =	sshll.u32 s1, $0xA  }
0x7: {  	s7 =	sand.u32 $0x1, s3;
	s4 =	sadd.s32 $0x188400, s6;
	s10 =	sadd.s32 $0x1EF600, s6  }
0x8: {  	s3 =	sadd.s32 $0x1A00, s6;
	_ =	strace $0x80000047;
	s9 =	sshll.u32 s7, $0x9  }
0x9: {  	s7 =	ssub.s32 $0x2, s7;
	s8 =	sor.u32 s9, s8;
	s9 =	sadd.s32 $0x1AF600, s6  }
0xa: {  	s23 =	sshrl.u32 s8, $0x3;
	s12 =	sor.u32 $0x80, s8;
	s13 =	sor.u32 $0x100, s8  }
0xb: {  	s14 =	sor.u32 $0x180, s8;
	s19 =	sshll.u32 s8, $0x4;
	s11 =	sadd.s32 s0, s23  }
0xc: {  	s6 =	sadd.s32 s5, s23;
	s24 =	sshrl.u32 s12, $0x3;
	[dreg:$0x4] =	wrdreg s11  }
0xd: {  	s1 =	sshrl.u32 s13, $0x3;
	s21 =	sadd.s32 s9, s19;
	[dreg:$0x5] =	wrdreg s6  }
0xe: {  	s17 =	sshrl.u32 s14, $0x3;
	s22 =	sadd.s32 s10, s19;
	[dreg:$0xc] =	wrdreg s21  }
0xf: {  	s23 =	sshll.u32 s12, $0x4;
	s25 =	sadd.s32 s0, s24;
	[dreg:$0xd] =	wrdreg s22  }
0x10: {  	s12 =	simm.s32 $0x200;
	s26 =	sadd.s32 s5, s24;
	[dreg:$0x6] =	wrdreg s25  }
0x11: {  	s19 =	simm.s32 $0x1;
	s15 =	sadd.s32 s0, s1;
	[dreg:$0x7] =	wrdreg s26  }
0x12: {  	s16 =	sadd.s32 s5, s1;
	s0 =	sadd.s32 s0, s17;
	[dreg:$0x8] =	wrdreg s15  }
0x13: {  	s18 =	sadd.s32 s5, s17;
	s24 =	sadd.s32 s9, s23;
	[dreg:$0x9] =	wrdreg s16  }
0x14: {  	s6 =	sadd.s32 s10, s23;
	s17 =	simm.s32 $0x180;
	[dreg:$0xa] =	wrdreg s0  }
0x15: {  	s21 =	simm.s32 $0x400;
	s22 =	simm.s32 $0x1400;
	[dreg:$0xb] =	wrdreg s18  }
0x16: {  	s23 =	simm.s32 $0x2400;
	s15 =	sshrl.u32 s7, $0x1;
	[dreg:$0xe] =	wrdreg s24  }
0x17: {  	s25 =	sshll.u32 s13, $0x4;
	s26 =	sshll.u32 s14, $0x4;
	s13 =	simm.s32 $0x80  }
0x18: {  	s14 =	simm.s32 $0x280;
	s16 =	simm.s32 $0x300;
	s18 =	simm.s32 $0x380  }
0x19: {  	s24 =	simm.s32 $0x3400;
	s0 =	simm.s32 $0x3;
	s20 =	ssub.s32 s7, s15  }
0x1a: {  	s7 =	sadd.s32 s9, s25;
	s8 =	sadd.s32 s10, s25;
	s9 =	sadd.s32 s9, s26  }
0x1b: {  	s10 =	sadd.s32 s10, s26;
	s15 =	simm.s32 $0x100;
	s25 =	simm.s32 $0x4400  }
0x1c: {  	s26 =	simm.s32 $0x5400;
	s11 =	smax.u32 s20, $0x1;
	s20 =	simm.s32 $0x2  }
.LBB2_1:
0x1d: {  	s1 =	rddreg [dreg:$0x4]  }
0x1e: {  	[tilespmem:s2], [sflag:$0x1] =	stream.linear.gather [hbm4b:s1+s2], $0x80, $0x38;
	[tilespmem:$0x8400] =	vst v63  }
0x1f: {  	s5 =	rddreg [dreg:$0x5]  }
0x20: {  	[tilespmem:s12], [sflag:$0x2] =	stream.linear.gather [hbm4b:s5+s2], $0x80, $0x38;
	[tilespmem:$0x8400] =	vst v63  }
0x21: {  	s1 =	rddreg [dreg:$0x6]  }
0x22: {  	[tilespmem:s13], [sflag:$0x1] =	stream.linear.gather [hbm4b:s1+s2], $0x80, $0x38;
	[tilespmem:$0x8400] =	vst v63  }
0x23: {  	s5 =	rddreg [dreg:$0x7]  }
0x24: {  	[tilespmem:s14], [sflag:$0x2] =	stream.linear.gather [hbm4b:s5+s2], $0x80, $0x38;
	[tilespmem:$0x8400] =	vst v63  }
0x25: {  	s1 =	rddreg [dreg:$0x8]  }
0x26: {  	[tilespmem:s15], [sflag:$0x1] =	stream.linear.gather [hbm4b:s1+s2], $0x80, $0x38;
	[tilespmem:$0x8400] =	vst v63  }
0x27: {  	s5 =	rddreg [dreg:$0x9]  }
0x28: {  	[tilespmem:s16], [sflag:$0x2] =	stream.linear.gather [hbm4b:s5+s2], $0x80, $0x38;
	[tilespmem:$0x8400] =	vst v63  }
0x29: {  	s1 =	rddreg [dreg:$0xa]  }
0x2a: {  	[tilespmem:s17], [sflag:$0x1] =	stream.linear.gather [hbm4b:s1+s2], $0x80, $0x38;
	[tilespmem:$0x8400] =	vst v63  }
0x2b: {  	s5 =	rddreg [dreg:$0xb]  }
0x2c: {  	[tilespmem:s18], [sflag:$0x2] =	stream.linear.gather [hbm4b:s5+s2], $0x80, $0x38;
	[tilespmem:$0x8400] =	vst v63  }
0x2d: {  	_ =	swait.ge [sflag:s19], $0x80  }
0x2e: {  	[sflag:s19] =	ssyncset.done $0x0  }
0x2f: {  	[sflag:s19] =	ssyncadd.s32 $0xFFFFFF80  }
0x30: {  	_ =	swait.ge [sflag:s20], $0x80  }
0x31: {  	[sflag:s20] =	ssyncset.done $0x0  }
0x32: {  	[sflag:s20] =	ssyncadd.s32 $0xFFFFFF80  }
0x33: {  	_ =	swait.ge [sflag:s19], $0x80  }
0x34: {  	[sflag:s19] =	ssyncset.done $0x0  }
0x35: {  	[sflag:s19] =	ssyncadd.s32 $0xFFFFFF80  }
0x36: {  	_ =	swait.ge [sflag:s20], $0x80  }
0x37: {  	[sflag:s20] =	ssyncset.done $0x0  }
0x38: {  	[sflag:s20] =	ssyncadd.s32 $0xFFFFFF80  }
0x39: {  	_ =	swait.ge [sflag:s19], $0x80  }
0x3a: {  	[sflag:s19] =	ssyncset.done $0x0  }
0x3b: {  	[sflag:s19] =	ssyncadd.s32 $0xFFFFFF80  }
0x3c: {  	_ =	swait.ge [sflag:s20], $0x80  }
0x3d: {  	[sflag:s20] =	ssyncset.done $0x0  }
0x3e: {  	[sflag:s20] =	ssyncadd.s32 $0xFFFFFF80  }
0x3f: {  	_ =	swait.ge [sflag:s19], $0x80  }
0x40: {  	[sflag:s19] =	ssyncset.done $0x0  }
0x41: {  	[sflag:s19] =	ssyncadd.s32 $0xFFFFFF80  }
0x42: {  	_ =	swait.ge [sflag:s20], $0x80  }
0x43: {  	[sflag:s20] =	ssyncset.done $0x0  }
0x44: {  	[sflag:s20] =	ssyncadd.s32 $0xFFFFFF80  }
0x45: {  	v0 =	vld [tilespmem:$0x0]  }
0x46: {  	v1 =	vld [tilespmem:$0x10]  }
0x47: {  	v2 =	vld [tilespmem:$0x20]  }
0x48: {  	v3 =	vld [tilespmem:$0x30]  }
0x49: {  	v4 =	vld [tilespmem:$0x40]  }
0x4a: {  	v5 =	vld [tilespmem:$0x50];
	v0 =	vshll.u32 v0, $0x2  }
0x4b: {  	v57 =	vld [tilespmem:$0x60];
	v56 =	vshll.u32 v1, $0x2;
	[tilespmem:$0x0] =	vst v0  }
0x4c: {  	v59 =	vld [tilespmem:$0x70];
	v58 =	vshll.u32 v2, $0x2;
	[tilespmem:$0x10] =	vst v56  }
0x4d: {  	v61 =	vld [tilespmem:$0x80];
	v60 =	vshll.u32 v3, $0x2;
	[tilespmem:$0x20] =	vst v58  }
0x4e: {  	v63 =	vld [tilespmem:$0x90];
	v62 =	vshll.u32 v4, $0x2;
	[tilespmem:$0x30] =	vst v60  }
0x4f: {  	v9 =	vld [tilespmem:$0xA0];
	v8 =	vshll.u32 v5, $0x2;
	[tilespmem:$0x40] =	vst v62  }
0x50: {  	v11 =	vld [tilespmem:$0xB0];
	v10 =	vshll.u32 v57, $0x2;
	[tilespmem:$0x50] =	vst v8  }
0x51: {  	v13 =	vld [tilespmem:$0xC0];
	v12 =	vshll.u32 v59, $0x2;
	[tilespmem:$0x60] =	vst v10  }
0x52: {  	v15 =	vld [tilespmem:$0xD0];
	v14 =	vshll.u32 v61, $0x2;
	[tilespmem:$0x70] =	vst v12  }
0x53: {  	v17 =	vld [tilespmem:$0xE0];
	v16 =	vshll.u32 v63, $0x2;
	[tilespmem:$0x80] =	vst v14  }
0x54: {  	v19 =	vld [tilespmem:$0xF0];
	v18 =	vshll.u32 v9, $0x2;
	[tilespmem:$0x90] =	vst v16  }
0x55: {  	v21 =	vld [tilespmem:$0x100];
	v20 =	vshll.u32 v11, $0x2;
	[tilespmem:$0xA0] =	vst v18  }
0x56: {  	v23 =	vld [tilespmem:$0x110];
	v22 =	vshll.u32 v13, $0x2;
	[tilespmem:$0xB0] =	vst v20  }
0x57: {  	v25 =	vld [tilespmem:$0x120];
	v24 =	vshll.u32 v15, $0x2;
	[tilespmem:$0xC0] =	vst v22  }
0x58: {  	v27 =	vld [tilespmem:$0x130];
	v26 =	vshll.u32 v17, $0x2;
	[tilespmem:$0xD0] =	vst v24  }
0x59: {  	v29 =	vld [tilespmem:$0x140];
	v28 =	vshll.u32 v19, $0x2;
	[tilespmem:$0xE0] =	vst v26  }
0x5a: {  	v31 =	vld [tilespmem:$0x150];
	v30 =	vshll.u32 v21, $0x2;
	[tilespmem:$0xF0] =	vst v28  }
0x5b: {  	v33 =	vld [tilespmem:$0x160];
	v32 =	vshll.u32 v23, $0x2;
	[tilespmem:$0x100] =	vst v30  }
0x5c: {  	v35 =	vld [tilespmem:$0x170];
	v34 =	vshll.u32 v25, $0x2;
	[tilespmem:$0x110] =	vst v32  }
0x5d: {  	v37 =	vld [tilespmem:$0x180];
	v36 =	vshll.u32 v27, $0x2;
	[tilespmem:$0x120] =	vst v34  }
0x5e: {  	v39 =	vld [tilespmem:$0x190];
	v38 =	vshll.u32 v29, $0x2;
	[tilespmem:$0x130] =	vst v36  }
0x5f: {  	v41 =	vld [tilespmem:$0x1A0];
	v40 =	vshll.u32 v31, $0x2;
	[tilespmem:$0x140] =	vst v38  }
0x60: {  	v43 =	vld [tilespmem:$0x1B0];
	v42 =	vshll.u32 v33, $0x2;
	[tilespmem:$0x150] =	vst v40  }
0x61: {  	v45 =	vld [tilespmem:$0x1C0];
	v44 =	vshll.u32 v35, $0x2;
	[tilespmem:$0x160] =	vst v42  }
0x62: {  	v55 =	vld [tilespmem:$0x210];
	v46 =	vshll.u32 v37, $0x2;
	[tilespmem:$0x170] =	vst v44  }
0x63: {  	v47 =	vld [tilespmem:$0x1D0];
	v48 =	vshll.u32 v39, $0x2;
	[tilespmem:$0x180] =	vst v46  }
0x64: {  	v49 =	vld [tilespmem:$0x1E0];
	v50 =	vshll.u32 v41, $0x2;
	[tilespmem:$0x190] =	vst v48  }
0x65: {  	v51 =	vld [tilespmem:$0x1F0];
	v52 =	vshll.u32 v43, $0x2;
	[tilespmem:$0x1A0] =	vst v50  }
0x66: {  	v53 =	vld [tilespmem:$0x200];
	v54 =	vshll.u32 v45, $0x2;
	[tilespmem:$0x1B0] =	vst v52  }
0x67: {  	v57 =	vld [tilespmem:$0x220];
	v7 =	vshll.u32 v55, $0x2;
	[tilespmem:$0x1C0] =	vst v54  }
0x68: {  	v59 =	vld [tilespmem:$0x230];
	v56 =	vshll.u32 v47, $0x2;
	[tilespmem:$0x210] =	vst v7  }
0x69: {  	v61 =	vld [tilespmem:$0x240];
	v58 =	vshll.u32 v49, $0x2;
	[tilespmem:$0x1D0] =	vst v56  }
0x6a: {  	v63 =	vld [tilespmem:$0x250];
	v60 =	vshll.u32 v51, $0x2;
	[tilespmem:$0x1E0] =	vst v58  }
0x6b: {  	v62 =	vshll.u32 v53, $0x2;
	v8 =	vld [tilespmem:$0x260];
	[tilespmem:$0x1F0] =	vst v60  }
0x6c: {  	v10 =	vld [tilespmem:$0x270];
	[tilespmem:$0x200] =	vst v62;
	v9 =	vshll.u32 v57, $0x2  }
0x6d: {  	v12 =	vld [tilespmem:$0x280];
	v11 =	vshll.u32 v59, $0x2;
	[tilespmem:$0x220] =	vst v9  }
0x6e: {  	v14 =	vld [tilespmem:$0x290];
	v13 =	vshll.u32 v61, $0x2;
	[tilespmem:$0x230] =	vst v11  }
0x6f: {  	v16 =	vld [tilespmem:$0x2A0];
	v15 =	vshll.u32 v63, $0x2;
	[tilespmem:$0x240] =	vst v13  }
0x70: {  	v18 =	vld [tilespmem:$0x2B0];
	[tilespmem:$0x250] =	vst v15;
	v17 =	vshll.u32 v8, $0x2  }
0x71: {  	v20 =	vld [tilespmem:$0x2C0];
	v19 =	vshll.u32 v10, $0x2;
	[tilespmem:$0x260] =	vst v17  }
0x72: {  	v22 =	vld [tilespmem:$0x2D0];
	v21 =	vshll.u32 v12, $0x2;
	[tilespmem:$0x270] =	vst v19  }
0x73: {  	v24 =	vld [tilespmem:$0x2E0];
	v23 =	vshll.u32 v14, $0x2;
	[tilespmem:$0x280] =	vst v21  }
0x74: {  	v26 =	vld [tilespmem:$0x2F0];
	v25 =	vshll.u32 v16, $0x2;
	[tilespmem:$0x290] =	vst v23  }
0x75: {  	v28 =	vld [tilespmem:$0x300];
	v27 =	vshll.u32 v18, $0x2;
	[tilespmem:$0x2A0] =	vst v25  }
0x76: {  	v30 =	vld [tilespmem:$0x310];
	v29 =	vshll.u32 v20, $0x2;
	[tilespmem:$0x2B0] =	vst v27  }
0x77: {  	v32 =	vld [tilespmem:$0x320];
	v31 =	vshll.u32 v22, $0x2;
	[tilespmem:$0x2C0] =	vst v29  }
0x78: {  	v34 =	vld [tilespmem:$0x330];
	v33 =	vshll.u32 v24, $0x2;
	[tilespmem:$0x2D0] =	vst v31  }
0x79: {  	v36 =	vld [tilespmem:$0x340];
	v35 =	vshll.u32 v26, $0x2;
	[tilespmem:$0x2E0] =	vst v33  }
0x7a: {  	v38 =	vld [tilespmem:$0x350];
	v37 =	vshll.u32 v28, $0x2;
	[tilespmem:$0x2F0] =	vst v35  }
0x7b: {  	v40 =	vld [tilespmem:$0x360];
	v39 =	vshll.u32 v30, $0x2;
	[tilespmem:$0x300] =	vst v37  }
0x7c: {  	v42 =	vld [tilespmem:$0x370];
	v41 =	vshll.u32 v32, $0x2;
	[tilespmem:$0x310] =	vst v39  }
0x7d: {  	v44 =	vld [tilespmem:$0x380];
	v43 =	vshll.u32 v34, $0x2;
	[tilespmem:$0x320] =	vst v41  }
0x7e: {  	v46 =	vld [tilespmem:$0x390];
	v45 =	vshll.u32 v36, $0x2;
	[tilespmem:$0x330] =	vst v43  }
0x7f: {  	v48 =	vld [tilespmem:$0x3A0];
	v47 =	vshll.u32 v38, $0x2;
	[tilespmem:$0x340] =	vst v45  }
0x80: {  	v50 =	vld [tilespmem:$0x3B0];
	v49 =	vshll.u32 v40, $0x2;
	[tilespmem:$0x350] =	vst v47  }
0x81: {  	v52 =	vld [tilespmem:$0x3C0];
	v51 =	vshll.u32 v42, $0x2;
	[tilespmem:$0x360] =	vst v49  }
0x82: {  	v54 =	vld [tilespmem:$0x3D0];
	v53 =	vshll.u32 v44, $0x2;
	[tilespmem:$0x370] =	vst v51  }
0x83: {  	v56 =	vld [tilespmem:$0x3E0];
	v55 =	vshll.u32 v46, $0x2;
	[tilespmem:$0x380] =	vst v53  }
0x84: {  	v58 =	vld [tilespmem:$0x3F0];
	v57 =	vshll.u32 v48, $0x2;
	[tilespmem:$0x390] =	vst v55  }
0x85: {  	v59 =	vshll.u32 v50, $0x2;
	[tilespmem:$0x3A0] =	vst v57  }
0x86: {  	v60 =	vshll.u32 v52, $0x2;
	[tilespmem:$0x3B0] =	vst v59  }
0x87: {  	v61 =	vshll.u32 v54, $0x2;
	[tilespmem:$0x3C0] =	vst v60  }
0x88: {  	[tilespmem:$0x3D0] =	vst v61;
	v62 =	vshll.u32 v56, $0x2  }
0x89: {  	v63 =	vshll.u32 v58, $0x2;
	[tilespmem:$0x3E0] =	vst v62  }
0x8a: {  	[tilespmem:$0x3F0] =	vst v63  }
0x8b: {  	[tilespmem:s21], [sflag:$0x1] =	stream.indirect.gather [hbm4b:s3+s13], $0x20, s2, s13, $0xb8;
	[tilespmem:$0x8400] =	vst v63  }
0x8c: {  	_ = 	snop  }
0x8d: {  	[tilespmem:s22], [sflag:$0x1] =	stream.indirect.gather [hbm4b:s3+s13], $0x20, s13, s13, $0xb8;
	[tilespmem:$0x8400] =	vst v63  }
0x8e: {  	_ = 	snop  }
0x8f: {  	[tilespmem:s23], [sflag:$0x1] =	stream.indirect.gather [hbm4b:s3+s13], $0x20, s15, s13, $0xb8;
	[tilespmem:$0x8400] =	vst v63  }
0x90: {  	_ = 	snop  }
0x91: {  	[tilespmem:s24], [sflag:$0x1] =	stream.indirect.gather [hbm4b:s3+s13], $0x20, s17, s13, $0xb8;
	[tilespmem:$0x8400] =	vst v63  }
0x92: {  	_ = 	snop  }
0x93: {  	[tilespmem:s25], [sflag:$0x3] =	stream.indirect.gather [hbm4b:s4+s13], $0x20, s12, s13, $0xb8;
	[tilespmem:$0x8400] =	vst v63  }
0x94: {  	_ = 	snop  }
0x95: {  	[tilespmem:s26], [sflag:$0x3] =	stream.indirect.gather [hbm4b:s4+s13], $0x20, s14, s13, $0xb8;
	[tilespmem:$0x8400] =	vst v63  }
0x96: {  	_ = 	snop  }
0x97: {  	[tilespmem:s28], [sflag:$0x3] =	stream.indirect.gather [hbm4b:s4+s13], $0x20, s16, s13, $0xb8;
	[tilespmem:$0x8400] =	vst v63  }
0x98: {  	_ = 	snop  }
0x99: {  	[tilespmem:s29], [sflag:$0x3] =	stream.indirect.gather [hbm4b:s4+s13], $0x20, s18, s13, $0xb8;
	[tilespmem:$0x8400] =	vst v63  }
0x9a: {  	_ =	swait.ge [sflag:s19], $0x1000  }
0x9b: {  	[sflag:s19] =	ssyncset.done $0x0  }
0x9c: {  	s5 =	rddreg [dreg:$0xc];
	[sflag:s19] =	ssyncadd.s32 $0xFFFFF000  }
0x9d: {  	[hbm4b:s5+s30] =	stream.strided.scatter [tilespmem:s21], [sflag:$0x4], $0x1000, s13, s30, $0x38;
	[tilespmem:$0x8400] =	vst v63  }
0x9e: {  	_ =	swait.ge [sflag:s31], $0x1000  }
0x9f: {  	[sflag:s31] =	ssyncset.done $0x0  }
0xa0: {  	[sflag:s31] =	ssyncadd.s32 $0xFFFFF000  }
0xa1: {  	_ =	swait.ge [sflag:s0], $0x1000  }
0xa2: {  	[sflag:s0] =	ssyncset.done $0x0  }
0xa3: {  	s5 =	rddreg [dreg:$0xd];
	[sflag:s0] =	ssyncadd.s32 $0xFFFFF000  }
0xa4: {  	[hbm4b:s5+s30] =	stream.strided.scatter [tilespmem:s25], [sflag:$0x4], $0x1000, s13, s30, $0x38;
	[tilespmem:$0x8400] =	vst v63  }
0xa5: {  	_ =	swait.ge [sflag:s31], $0x1000  }
0xa6: {  	[sflag:s31] =	ssyncset.done $0x0  }
0xa7: {  	[sflag:s31] =	ssyncadd.s32 $0xFFFFF000  }
0xa8: {  	_ =	swait.ge [sflag:s19], $0x1000  }
0xa9: {  	[sflag:s19] =	ssyncset.done $0x0  }
0xaa: {  	s5 =	rddreg [dreg:$0xe];
	[sflag:s19] =	ssyncadd.s32 $0xFFFFF000  }
0xab: {  	[hbm4b:s5+s30] =	stream.strided.scatter [tilespmem:s22], [sflag:$0x4], $0x1000, s13, s30, $0x38;
	[tilespmem:$0x8400] =	vst v63  }
0xac: {  	_ =	swait.ge [sflag:s31], $0x1000  }
0xad: {  	[sflag:s31] =	ssyncset.done $0x0  }
0xae: {  	[sflag:s31] =	ssyncadd.s32 $0xFFFFF000  }
0xaf: {  	_ =	swait.ge [sflag:s0], $0x1000  }
0xb0: {  	[sflag:s0] =	ssyncset.done $0x0  }
0xb1: {  	[sflag:s0] =	ssyncadd.s32 $0xFFFFF000  }
0xb2: {  	[hbm4b:s6+s30] =	stream.strided.scatter [tilespmem:s26], [sflag:$0x4], $0x1000, s13, s30, $0x38;
	[tilespmem:$0x8400] =	vst v63  }
0xb3: {  	_ =	swait.ge [sflag:s31], $0x1000  }
0xb4: {  	[sflag:s31] =	ssyncset.done $0x0  }
0xb5: {  	[sflag:s31] =	ssyncadd.s32 $0xFFFFF000  }
0xb6: {  	_ =	swait.ge [sflag:s19], $0x1000  }
0xb7: {  	[sflag:s19] =	ssyncset.done $0x0  }
0xb8: {  	[sflag:s19] =	ssyncadd.s32 $0xFFFFF000  }
0xb9: {  	[hbm4b:s7+s30] =	stream.strided.scatter [tilespmem:s23], [sflag:$0x4], $0x1000, s13, s30, $0x38;
	[tilespmem:$0x8400] =	vst v63  }
0xba: {  	_ =	swait.ge [sflag:s31], $0x1000  }
0xbb: {  	[sflag:s31] =	ssyncset.done $0x0  }
0xbc: {  	[sflag:s31] =	ssyncadd.s32 $0xFFFFF000  }
0xbd: {  	_ =	swait.ge [sflag:s0], $0x1000  }
0xbe: {  	[sflag:s0] =	ssyncset.done $0x0  }
0xbf: {  	[sflag:s0] =	ssyncadd.s32 $0xFFFFF000  }
0xc0: {  	[hbm4b:s8+s30] =	stream.strided.scatter [tilespmem:s28], [sflag:$0x4], $0x1000, s13, s30, $0x38;
	[tilespmem:$0x8400] =	vst v63  }
0xc1: {  	_ =	swait.ge [sflag:s31], $0x1000  }
0xc2: {  	[sflag:s31] =	ssyncset.done $0x0  }
0xc3: {  	[sflag:s31] =	ssyncadd.s32 $0xFFFFF000  }
0xc4: {  	_ =	swait.ge [sflag:s19], $0x1000  }
0xc5: {  	[sflag:s19] =	ssyncset.done $0x0  }
0xc6: {  	[sflag:s19] =	ssyncadd.s32 $0xFFFFF000  }
0xc7: {  	[hbm4b:s9+s30] =	stream.strided.scatter [tilespmem:s24], [sflag:$0x4], $0x1000, s13, s30, $0x38;
	[tilespmem:$0x8400] =	vst v63  }
0xc8: {  	_ =	swait.ge [sflag:s31], $0x1000  }
0xc9: {  	[sflag:s31] =	ssyncset.done $0x0  }
0xca: {  	[sflag:s31] =	ssyncadd.s32 $0xFFFFF000  }
0xcb: {  	_ =	swait.ge [sflag:s0], $0x1000  }
0xcc: {  	p0 =	sne.s32 s11, $0x1;
	[sflag:s0] =	ssyncset.done $0x0  }
.Ltmp0:
0xcd: {  	[sflag:s0] =	ssyncadd.s32 $0xFFFFF000;
	(pc) =	sbr.rel @p0 .LBB2_1-.Ltmp0, $4  }
0xce: {  	[hbm4b:s10+s30] =	stream.strided.scatter [tilespmem:s29], [sflag:$0x4], $0x1000, s13, s30, $0x38;
	[tilespmem:$0x8400] =	vst v63  }
0xcf: {  	_ =	swait.ge [sflag:s31], $0x1000  }
0xd0: {  	[sflag:s31] =	ssyncset.done $0x0  }
0xd1: {  	s11 =	sadd.s32 $0xFFFFFFFF, s11;
	[sflag:s31] =	ssyncadd.s32 $0xFFFFF000  }
0xd2: {  	_ =	sfence.sel $0x180000  }
0xd3: {  	[bflag:$0x0] =	sbarrier.arrive $0xFFFF  }
0xd4: {  	_ =	strace $0x90000047  }
0xd5: {  	s0 =	stileid.u32;
	[bflag:$0x2] =	sbarrier.arrive $0xFFFF  }
0xd6: {  	p0 =	sne.s32 s0, $0x0;
	s0 =	rddreg [dreg:$0x3]  }
0xd7: {  	s0 =	sadd.s32 @!p0 $0x100000, s0  }
0xd8: {  	[sflag:s0] =	ssyncadd.tile.s32 @!p0 $0x1;
	_ =	shalt  }
.Lfunc_end2:
_tile_overlayer_lowered:
.L_overlay_start_2:
0xd9: {  	(tag) =	ssettag $0x2  }
0xda: {  	s0 =	rddreg [dreg:$0x0];
	s2 =	stileid.u32  }
0xdb: {  	s1 =	rddreg [dreg:$0x1];
	p0 =	sne.s32 s2, $0x0  }
0xdc: {  	s3 =	rddreg [dreg:$0x2];
	[bflag:$0x3] =	sbarrier.arrive $0xFFFF;
	s2 =	simm.s32 @!p0 $0x1C04  }
0xdd: {  	[timem:s3], [sflag:s2] =	dma.local @!p0 [hbm:s0], s1  }
0xde: {  	s0 =	simm.s32 @!p0 $0x4  }
0xdf: {  	_ =	swait.ge @!p0 [sflag:s0], s1  }
0xe0: {  	s1 =	ssub.s32 @!p0 $0x0, s1;
	[sflag:s0] =	ssyncset.done @!p0 $0x0  }
0xe1: {  	[sflag:s0] =	ssyncadd.s32 @!p0 s1  }
0xe2: {  	[bflag:$0x3] =	sbarrier.arrive $0xFFFF  }
0xe3: {  	_ =	shalt  }

</sc_bundles>
